<compile_context>
chip_gen: v7x
topology: tpu7x:2x2x1
jax: 0.10.2.dev20260603
libtpu: 0.0.44.dev20260713+nightly
codegen_flags: <defaults>
</compile_context>

<pallas_src>
import functools

import jax
import jax.numpy as jnp
from jax import lax
from jax.experimental import pallas as pl
from jax.experimental.pallas import tpu as pltpu
from jax.experimental.pallas import tpu_sc as plsc

H = 256
HID4 = 4 * H

_NC = 2
_NS = 16
_NW = _NC * _NS


def _stage_ab(emb_row, h0, c0, W_ih, W_hh, b_ih2, b_hh2, W_attn,
              W_ws, W_wx, b_wx2, syn, E, BE):
    steps = E // BE

    def body(emb_ref, h_ref, c_ref, wih_ref, whh_ref, bih_ref,
             bhh_ref, wattn_ref, wws_ref, wwx_ref, bwx_ref, syn_ref,
             s_ref, m_ref, zi_ref, h2_ref, phx_ref, h23_ref, c23_ref,
             q_scr, scr):
        i = pl.program_id(0)

        @pl.when(i == 0)
        def _():
            x = emb_ref[...]
            h = h_ref[...]
            c = c_ref[...]
            g = (lax.dot_general(x, wih_ref[...], (((1,), (1,)), ((), ())),
                                 preferred_element_type=jnp.float32)
                 + lax.dot_general(h, whh_ref[...], (((1,), (1,)), ((), ())),
                                   preferred_element_type=jnp.float32)
                 + bih_ref[...] + bhh_ref[...])
            i_g = jax.nn.sigmoid(g[:, 0:H])
            f_g = jax.nn.sigmoid(g[:, H:2 * H])
            g_g = jnp.tanh(g[:, 2 * H:3 * H])
            o_g = jax.nn.sigmoid(g[:, 3 * H:4 * H])
            c2 = f_g * c + i_g * g_g
            h2 = o_g * jnp.tanh(c2)
            h2_ref[...] = h2
            q_scr[...] = lax.dot_general(h2, wattn_ref[...],
                                         (((1,), (1,)), ((), ())),
                                         preferred_element_type=jnp.float32)
            phx = (jnp.sum(h2 * wws_ref[...]) + jnp.sum(x * wwx_ref[...])
                   + bwx_ref[0, 0])
            phx_ref[...] = jnp.full((1, 1), 0.0, jnp.float32) + phx
            h23_ref[...] = h2.reshape(1, 1, H)
            c23_ref[...] = c2.reshape(1, 1, H)
            scr[0] = -jnp.inf
            scr[1] = 0.0

        s = lax.dot_general(q_scr[...], syn_ref[...],
                            (((1,), (1,)), ((), ())),
                            preferred_element_type=jnp.float32)
        s_ref[...] = s
        m_old = scr[0]
        z_old = scr[1]
        m_blk = jnp.max(s)
        m_new = jnp.maximum(m_old, m_blk)
        z_new = z_old * jnp.exp(m_old - m_new) + jnp.sum(jnp.exp(s - m_new))
        scr[0] = m_new
        scr[1] = z_new

        @pl.when(i == steps - 1)
        def _():
            m_ref[...] = jnp.full((1, 128), m_new, jnp.float32)
            zi_ref[...] = jnp.full((1, 128), 1.0 / z_new, jnp.float32)

    zero = lambda i: (0, 0)
    zero3 = lambda i: (0, 0, 0)
    return pl.pallas_call(
        body,
        grid=(steps,),
        in_specs=[
            pl.BlockSpec((1, H), zero),
            pl.BlockSpec((1, H), zero),
            pl.BlockSpec((1, H), zero),
            pl.BlockSpec((HID4, H), zero),
            pl.BlockSpec((HID4, H), zero),
            pl.BlockSpec((1, HID4), zero),
            pl.BlockSpec((1, HID4), zero),
            pl.BlockSpec((H, H), zero),
            pl.BlockSpec((1, H), zero),
            pl.BlockSpec((1, H), zero),
            pl.BlockSpec((1, 1), zero),
            pl.BlockSpec((BE, H), lambda i: (i, 0)),
        ],
        out_specs=[
            pl.BlockSpec((1, BE), lambda i: (0, i)),
            pl.BlockSpec((1, 128), zero),
            pl.BlockSpec((1, 128), zero),
            pl.BlockSpec((1, H), zero),
            pl.BlockSpec((1, 1), zero),
            pl.BlockSpec((1, 1, H), zero3),
            pl.BlockSpec((1, 1, H), zero3),
        ],
        out_shape=[
            jax.ShapeDtypeStruct((1, E), jnp.float32),
            jax.ShapeDtypeStruct((1, 128), jnp.float32),
            jax.ShapeDtypeStruct((1, 128), jnp.float32),
            jax.ShapeDtypeStruct((1, H), jnp.float32),
            jax.ShapeDtypeStruct((1, 1), jnp.float32),
            jax.ShapeDtypeStruct((1, 1, H), jnp.float32),
            jax.ShapeDtypeStruct((1, 1, H), jnp.float32),
        ],
        scratch_shapes=[pltpu.VMEM((1, H), jnp.float32),
                        pltpu.SMEM((2,), jnp.float32)],
    )(emb_row, h0, c0, W_ih, W_hh, b_ih2, b_hh2, W_attn, W_ws,
      W_wx, b_wx2, syn)


def _stage_c(scores, mrow, zirow, pg_mat, E, EXT, BC):
    steps = E // BC

    def body(s_ref, m_ref, zi_ref, pg_ref, aw_ref, pv_ref):
        i = pl.program_id(0)
        aw = jnp.exp(s_ref[...] - m_ref[0, 0]) * zi_ref[0, 0]
        aw_ref[...] = aw
        part = lax.dot_general(aw, pg_ref[...], (((1,), (0,)), ((), ())),
                               preferred_element_type=jnp.float32)

        @pl.when(i == 0)
        def _():
            pv_ref[...] = jnp.zeros_like(pv_ref)

        pv_ref[...] += part

    return pl.pallas_call(
        body,
        grid=(steps,),
        in_specs=[
            pl.BlockSpec((1, BC), lambda i: (0, i)),
            pl.BlockSpec((1, 128), lambda i: (0, 0)),
            pl.BlockSpec((1, 128), lambda i: (0, 0)),
            pl.BlockSpec((BC, EXT), lambda i: (i, 0)),
        ],
        out_specs=[
            pl.BlockSpec((1, BC), lambda i: (0, i)),
            pl.BlockSpec((1, EXT), lambda i: (0, 0)),
        ],
        out_shape=[
            jax.ShapeDtypeStruct((1, E), jnp.float32),
            jax.ShapeDtypeStruct((1, EXT), jnp.float32),
        ],
    )(scores, mrow, zirow, pg_mat)


def _sc_partials(edge2d, scores2d, mrow, zirow, E, N):
    grains = E // 128
    base_len = (grains // _NW) * 128
    last_len = E - base_len * (_NW - 1)
    pad = last_len
    chunks = pad // 16
    NP = ((N + 127) // 128) * 128
    mesh = plsc.VectorSubcoreMesh(core_axis_name="c", subcore_axis_name="s",
                                  num_cores=_NC, num_subcores=_NS)

    @functools.partial(
        pl.kernel,
        out_type=(jax.ShapeDtypeStruct((_NW * NP,), jnp.float32),
                  jax.ShapeDtypeStruct((_NW * NP,), jnp.float32)),
        mesh=mesh,
        compiler_params=pltpu.CompilerParams(needs_layout_passes=False),
        scratch_types=[
            pltpu.VMEM((2, pad), jnp.int32),
            pltpu.VMEM((pad,), jnp.float32),
            pltpu.VMEM((16,), jnp.int32),
            pltpu.VMEM((16,), jnp.float32),
            pltpu.VMEM((NP,), jnp.float32),
            pltpu.VMEM((NP,), jnp.float32),
            pltpu.VMEM((256,), jnp.float32),
        ],
    )
    def sck(edge_hbm, sc_hbm, m_hbm, zi_hbm, deg_out, w_out,
            edge_v, val_v, kbuf, cbuf, degh, wh, stat_v):
        wid = lax.axis_index("s") * _NC + lax.axis_index("c")
        base = wid * base_len
        iota = lax.iota(jnp.int32, 16)
        zf = jnp.zeros((16,), jnp.float32)
        zi_ = jnp.zeros((16,), jnp.int32)
        neg = jnp.full((16,), -1e30, jnp.float32)

        def fill_body(j, _):
            off = base_len + j * 16
            edge_v[0, pl.ds(off, 16)] = zi_
            edge_v[1, pl.ds(off, 16)] = zi_
            val_v[pl.ds(off, 16)] = neg
            return 0

        lax.fori_loop(0, (pad - base_len) // 16, fill_body, 0)

        @pl.when(wid == _NW - 1)
        def _():
            pltpu.sync_copy(edge_hbm.at[pl.ds(0, 2), pl.ds(base, last_len)],
                            edge_v.at[pl.ds(0, 2), pl.ds(0, last_len)])
            pltpu.sync_copy(sc_hbm.at[0, pl.ds(base, last_len)],
                            val_v.at[pl.ds(0, last_len)])

        @pl.when(wid < _NW - 1)
        def _():
            pltpu.sync_copy(edge_hbm.at[pl.ds(0, 2), pl.ds(base, base_len)],
                            edge_v.at[pl.ds(0, 2), pl.ds(0, base_len)])
            pltpu.sync_copy(sc_hbm.at[0, pl.ds(base, base_len)],
                            val_v.at[pl.ds(0, base_len)])

        pltpu.sync_copy(m_hbm.at[0, pl.ds(0, 128)], stat_v.at[pl.ds(0, 128)])
        pltpu.sync_copy(zi_hbm.at[0, pl.ds(0, 128)],
                        stat_v.at[pl.ds(128, 128)])

        def zero_body(j, _):
            degh[pl.ds(j * 16, 16)] = zf
            wh[pl.ds(j * 16, 16)] = zf
            return 0

        lax.fori_loop(0, NP // 16, zero_body, 0)
        mv = stat_v[pl.ds(0, 16)]
        ziv = stat_v[pl.ds(128, 16)]

        def accum(hist, keys, vals):
            sk, sv = plsc.sort_key_val(keys, vals)
            cs = plsc.cumsum(sv)
            kbuf[...] = sk
            cbuf[...] = cs
            knext = plsc.load_gather(kbuf, [jnp.minimum(iota + 1, 15)])
            kprev = plsc.load_gather(kbuf, [jnp.maximum(iota - 1, 0)])
            cprev = plsc.load_gather(cbuf, [jnp.maximum(iota - 1, 0)])
            mend = (sk != knext) | (iota == 15)
            mst = (sk != kprev) & (iota > 0)
            plsc.addupdate_scatter(hist, [sk], cs, mask=mend)
            plsc.addupdate_scatter(hist, [sk], -cprev, mask=mst)

        def edge_body(j, _):
            ks = edge_v[1, pl.ds(j * 16, 16)]
            rw = edge_v[0, pl.ds(j * 16, 16)]
            s = val_v[pl.ds(j * 16, 16)]
            e = jnp.exp(s - mv) * ziv
            accum(degh, ks, e)
            vw = jnp.where(ks == 0, e, 0.0)

            @pl.when(jnp.max(vw) > 0.0)
            def _():
                accum(wh, rw, vw)

            return 0

        lax.fori_loop(0, chunks, edge_body, 0)
        pltpu.sync_copy(degh, deg_out.at[pl.ds(wid * NP, NP)])
        pltpu.sync_copy(wh, w_out.at[pl.ds(wid * NP, NP)])

    return sck(edge2d, scores2d, mrow, zirow)


def _stage_e(deg_part, w_part, enc, W_gcn, b_gcn2, h2, phx, pv, W_comb,
             b_comb2, W_out, b_out2, W_wh, N, V, EXT, NP):
    def body(degp_ref, wp_ref, enc_ref, wgcn_ref, bgcn_ref, h2_ref, phx_ref,
             pv_ref, wcomb_ref, bcomb_ref, wout_ref, bout_ref, wwh_ref,
             main_ref, ext_ref):
        deg_acc = degp_ref[pl.ds(0, NP)]
        w_acc = wp_ref[pl.ds(0, NP)]
        for t in range(1, _NW):
            deg_acc = deg_acc + degp_ref[pl.ds(t * NP, NP)]
            w_acc = w_acc + wp_ref[pl.ds(t * NP, NP)]
        deg = deg_acc.reshape(1, NP) + 1.0
        dinv = lax.rsqrt(deg)
        w = w_acc.reshape(1, NP)
        u = dinv * w
        col = lax.broadcasted_iota(jnp.int32, (1, deg.shape[1]), 1)
        u = u + jnp.where(col == 0, dinv, 0.0)
        u = u[:, :enc_ref.shape[0]]
        v = lax.dot_general(u, enc_ref[...], (((1,), (0,)), ((), ())),
                            preferred_element_type=jnp.float32)
        aa = lax.dot_general(v, wgcn_ref[...], (((1,), (1,)), ((), ())),
                             preferred_element_type=jnp.float32)
        dinv0 = dinv[:, 0:1]
        attn_applied = dinv0 * aa + bgcn_ref[...]
        p = jnp.sum(attn_applied * wwh_ref[...]) + phx_ref[0, 0]
        p_gen = jax.nn.sigmoid(p) + 1e-07
        atten_p = pv_ref[...] * (1.0 - p_gen + 1e-07)
        cat = jnp.concatenate([h2_ref[...], attn_applied], axis=1)
        comb = jnp.tanh(
            lax.dot_general(cat, wcomb_ref[...], (((1,), (1,)), ((), ())),
                            preferred_element_type=jnp.float32)
            + bcomb_ref[...])
        logits = lax.dot_general(comb, wout_ref[...], (((1,), (1,)), ((), ())),
                                 preferred_element_type=jnp.float32) \
            + bout_ref[...]
        mx = jnp.max(logits, axis=1, keepdims=True)
        ex = jnp.exp(logits - mx)
        ssum = jnp.sum(ex, axis=1, keepdims=True)
        main_ref[...] = jnp.log(ex / ssum * p_gen)
        ext_ref[...] = jnp.log(atten_p)

    return pl.pallas_call(
        body,
        out_shape=[
            jax.ShapeDtypeStruct((1, V), jnp.float32),
            jax.ShapeDtypeStruct((1, EXT), jnp.float32),
        ],
    )(deg_part, w_part, enc, W_gcn, b_gcn2, h2, phx, pv, W_comb, b_comb2,
      W_out, b_out2, W_wh)


def kernel(input, hidden_h, hidden_c, encoder_outputs, syn_embeddeds,
           edge_index, pg_mat, emb_table, W_attn, W_gcn, b_gcn, W_comb,
           b_comb, W_ih, W_hh, b_ih, b_hh, W_out, b_out, W_wh, W_ws, W_wx,
           b_wx):
    N, _ = encoder_outputs.shape
    E, _ = syn_embeddeds.shape
    EXT = pg_mat.shape[1]
    V = W_out.shape[0]

    h0 = hidden_h.reshape(1, H)
    c0 = hidden_c.reshape(1, H)
    emb_row = lax.dynamic_slice(emb_table, (input.astype(jnp.int32)[0], 0),
                                (1, H))
    scores, mrow, zirow, h2, phx, h23, c23 = _stage_ab(
        emb_row, h0, c0, W_ih, W_hh,
        b_ih.reshape(1, HID4), b_hh.reshape(1, HID4), W_attn,
        W_ws, W_wx, b_wx.reshape(1, 1), syn_embeddeds, E, 16000)
    aw, pv = _stage_c(scores, mrow, zirow, pg_mat, E, EXT, 6400)

    deg_part, w_part = _sc_partials(edge_index.astype(jnp.int32), scores,
                                    mrow, zirow, E, N)
    NP = deg_part.shape[0] // _NW

    out_main, out_ext = _stage_e(
        deg_part, w_part, encoder_outputs,
        W_gcn, b_gcn.reshape(1, H), h2, phx, pv, W_comb,
        b_comb.reshape(1, H), W_out, b_out.reshape(1, V), W_wh, N, V, EXT,
        NP)

    out = jnp.concatenate([out_main, out_ext], axis=1)
    return (out, h23, c23, aw)

# --- scband reference (transcript-rebuilt; emitter-appended) ---
"""Pipeline reference for scband-attn-decoder-rnn-45896020525552 (READ-ONLY COPY).

The authoritative reference and input builder live on the scoring server;
editing this copy changes nothing except your own understanding.
"""

import jax, jax.numpy as jnp
import numpy as np

H = 256
V = 10000
NN = 10000
E = 160000
EXT = 512


def setup_inputs(seed: int = 0) -> dict:
    key = jax.random.key(seed)
    ks = jax.random.split(key, 24)
    s = 0.05
    inp = {}
    inp['input'] = jax.random.randint(ks[0], (1,), 0, V)
    inp['hidden_h'] = jax.random.normal(ks[1], (1, 1, H), jnp.float32)
    inp['hidden_c'] = jax.random.normal(ks[2], (1, 1, H), jnp.float32)
    inp['encoder_outputs'] = jax.random.normal(ks[3], (NN, H), jnp.float32)
    inp['syn_embeddeds'] = jax.random.normal(ks[4], (E, H), jnp.float32)
    inp['edge_index'] = jax.random.randint(ks[5], (2, E), 0, NN)
    inp['pg_mat'] = jax.random.uniform(ks[6], (E, EXT), jnp.float32)
    # learned parameters
    inp['emb_table'] = jax.random.normal(ks[7], (V + EXT, H), jnp.float32) * s
    inp['W_attn'] = jax.random.normal(ks[8], (H, H), jnp.float32) * s
    inp['W_gcn'] = jax.random.normal(ks[9], (H, H), jnp.float32) * s
    inp['b_gcn'] = jax.random.normal(ks[10], (H,), jnp.float32) * s
    inp['W_comb'] = jax.random.normal(ks[11], (H, 2 * H), jnp.float32) * s
    inp['b_comb'] = jax.random.normal(ks[12], (H,), jnp.float32) * s
    inp['W_ih'] = jax.random.normal(ks[13], (4 * H, H), jnp.float32) * s
    inp['W_hh'] = jax.random.normal(ks[14], (4 * H, H), jnp.float32) * s
    inp['b_ih'] = jax.random.normal(ks[15], (4 * H,), jnp.float32) * s
    inp['b_hh'] = jax.random.normal(ks[16], (4 * H,), jnp.float32) * s
    inp['W_out'] = jax.random.normal(ks[17], (V, H), jnp.float32) * s
    inp['b_out'] = jax.random.normal(ks[18], (V,), jnp.float32) * s
    inp['W_wh'] = jax.random.normal(ks[19], (1, H), jnp.float32) * s
    inp['W_ws'] = jax.random.normal(ks[20], (1, H), jnp.float32) * s
    inp['W_wx'] = jax.random.normal(ks[21], (1, H), jnp.float32) * s
    inp['b_wx'] = jax.random.normal(ks[22], (1,), jnp.float32) * s
    return inp


def _lstm_step(x, h, c, W_ih, W_hh, b_ih, b_hh):
    g = x @ W_ih.T + b_ih + h @ W_hh.T + b_hh
    i, f, gg, o = jnp.split(g, 4, axis=-1)
    i = jax.nn.sigmoid(i)
    f = jax.nn.sigmoid(f)
    gg = jnp.tanh(gg)
    o = jax.nn.sigmoid(o)
    c2 = f * c + i * gg
    h2 = o * jnp.tanh(c2)
    return h2, c2


def _gcn(x, edge_index, edge_weight, W, b):
    # faithful PyG GCNConv: add self-loops, symmetric normalization with edge weights
    n = x.shape[0]
    row = edge_index[0]
    col = edge_index[1]
    loop = jnp.arange(n)
    row = jnp.concatenate([row, loop])
    col = jnp.concatenate([col, loop])
    ew = jnp.concatenate([edge_weight, jnp.ones((n,), edge_weight.dtype)])
    deg = jnp.zeros((n,), x.dtype).at[col].add(ew)
    deg_safe = jnp.where(deg > 0, deg, 1.0)
    dinv = jnp.where(deg > 0, deg_safe ** -0.5, 0.0)
    norm = dinv[row] * ew * dinv[col]
    xw = x @ W.T
    out = jnp.zeros((n, xw.shape[1]), x.dtype).at[col].add(norm[:, None] * xw[row])
    return out + b


def reference(input, hidden_h, hidden_c, encoder_outputs, syn_embeddeds, edge_index, pg_mat,
              emb_table, W_attn, W_gcn, b_gcn, W_comb, b_comb,
              W_ih, W_hh, b_ih, b_hh, W_out, b_out, W_wh, W_ws, W_wx, b_wx):
    embedded = emb_table[input].reshape(1, 1, -1)  # dropout is identity in eval
    h0 = hidden_h.reshape(1, H)
    c0 = hidden_c.reshape(1, H)
    h2, c2 = _lstm_step(embedded[0], h0, c0, W_ih, W_hh, b_ih, b_hh)
    attn_weights = jax.nn.softmax((h2 @ W_attn.T) @ syn_embeddeds.T, axis=1)  # [1, E]
    outputs = _gcn(encoder_outputs, edge_index, attn_weights[0], W_gcn, b_gcn)
    attn_applied = outputs[0]  # [H]
    p = attn_applied @ W_wh.T + h2 @ W_ws.T + (embedded[0] @ W_wx.T + b_wx)
    p_gen = jax.nn.sigmoid(p)[0, 0] + 1e-07
    atten_p = attn_weights @ (pg_mat * (1.0 - p_gen + 1e-07))  # [1, EXT]
    cat = jnp.concatenate([h2, attn_applied.reshape(1, -1)], axis=1)
    comb = jnp.tanh(cat @ W_comb.T + b_comb)  # [1, H]
    out_sm = jax.nn.softmax(comb @ W_out.T + b_out, axis=1) * p_gen
    out = jnp.log(jnp.concatenate([out_sm, atten_p], axis=1))  # [1, V+EXT]
    return (out, h2.reshape(1, 1, -1), c2.reshape(1, 1, -1), attn_weights)

if __name__ == "__main__":
    import jax
    _d = setup_inputs()
    print(jax.jit(kernel)(*tuple(_d.values())))

</pallas_src>

<mosaic_0001>
#map = affine_map<(d0, d1) -> (0, 0)>
#map1 = affine_map<(d0, d1) -> (0)>
module attributes {stable_mosaic.version = 14 : i64} {
  func.func @sck(%arg0: i32, %arg1: i32, %arg2: memref<2x160000xi32, #tpu.memory_space<hbm>>, %arg3: memref<1x160000xf32, #tpu.memory_space<hbm>>, %arg4: memref<1x128xf32, #tpu.memory_space<hbm>>, %arg5: memref<1x128xf32, #tpu.memory_space<hbm>>, %arg6: memref<323584xf32, #tpu.memory_space<hbm>>, %arg7: memref<323584xf32, #tpu.memory_space<hbm>>, %arg8: memref<2x5248xi32, #tpu.memory_space<vmem>>, %arg9: memref<5248xf32, #tpu.memory_space<vmem>>, %arg10: memref<16xi32, #tpu.memory_space<vmem>>, %arg11: memref<16xf32, #tpu.memory_space<vmem>>, %arg12: memref<10112xf32, #tpu.memory_space<vmem>>, %arg13: memref<10112xf32, #tpu.memory_space<vmem>>, %arg14: memref<256xf32, #tpu.memory_space<vmem>>) attributes {dimension_semantics = [#tpu.dimension_semantics<core_parallel>, #tpu.dimension_semantics<subcore_parallel>], iteration_bounds = array<i64: 2, 16>, scalar_prefetch = 0 : i64, scratch_operands = 7 : i64, tpu.core_type = #tpu.core_type<sc_vector_subcore>, window_params = [{transform_indices = #map}, {transform_indices = #map}, {transform_indices = #map}, {transform_indices = #map}, {transform_indices = #map1}, {transform_indices = #map1}]} {
    %mul3A = arith.constant 2 : i32
    %mul3A_0 = arith.muli %arg1, %mul3A : i32
    %add3A = arith.addi %mul3A_0, %arg0 : i32
    %mul3A_1 = arith.constant 4992 : i32
    %mul3A_2 = arith.muli %add3A, %mul3A_1 : i32
    %iota3A = tpu.iota {dimensions = array<i32: 0>} : vector<16xi32>
    %broadcast_in_dim3A = arith.constant 0.000000e+00 : f32
    %broadcast_in_dim3A_3 = vector.broadcast %broadcast_in_dim3A : f32 to vector<16xf32>
    %broadcast_in_dim3A_4 = arith.constant 0 : i32
    %broadcast_in_dim3A_5 = vector.broadcast %broadcast_in_dim3A_4 : i32 to vector<16xi32>
    %broadcast_in_dim3A_6 = arith.constant -1.000000e+30 : f32
    %broadcast_in_dim3A_7 = vector.broadcast %broadcast_in_dim3A_6 : f32 to vector<16xf32>
    %scan3A = arith.constant 0 : i32
    %scan3A_8 = arith.constant 0 : i32
    %scan3A_9 = arith.constant 16 : i32
    %scan3A_10 = arith.addi %scan3A_8, %scan3A_9 : i32
    %scan3A_11 = arith.constant 1 : i32
    %scan3A_12 = scf.for %scan3A_42 = %scan3A_8 to %scan3A_10 step %scan3A_11 iter_args(%scan3A_43 = %scan3A) -> (i32)  : i32 {
      %mul3A_44 = arith.constant 16 : i32
      %mul3A_45 = arith.muli %scan3A_42, %mul3A_44 : i32
      %add3A_46 = arith.constant 4992 : i32
      %add3A_47 = arith.addi %add3A_46, %mul3A_45 : i32
      %swap3A = arith.constant 0 : i32
      %swap3A_48 = arith.index_cast %swap3A : i32 to index
      %swap3A_49 = arith.index_cast %add3A_47 : i32 to index
      %swap3A_50 = tpu.vector_load %arg8[%swap3A_48, %swap3A_49] {strides = array<i32>} : memref<2x5248xi32, #tpu.memory_space<vmem>>, vector<16xi32>,
      tpu.vector_store %arg8[%swap3A_48, %swap3A_49], %broadcast_in_dim3A_5 {strides = array<i32>} : memref<2x5248xi32, #tpu.memory_space<vmem>>, vector<16xi32>,
      %swap3A_51 = arith.constant 1 : i32
      %swap3A_52 = arith.index_cast %swap3A_51 : i32 to index
      %swap3A_53 = arith.index_cast %add3A_47 : i32 to index
      %swap3A_54 = tpu.vector_load %arg8[%swap3A_52, %swap3A_53] {strides = array<i32>} : memref<2x5248xi32, #tpu.memory_space<vmem>>, vector<16xi32>,
      tpu.vector_store %arg8[%swap3A_52, %swap3A_53], %broadcast_in_dim3A_5 {strides = array<i32>} : memref<2x5248xi32, #tpu.memory_space<vmem>>, vector<16xi32>,
      %swap3A_55 = arith.index_cast %add3A_47 : i32 to index
      %swap3A_56 = tpu.vector_load %arg9[%swap3A_55] {strides = array<i32>} : memref<5248xf32, #tpu.memory_space<vmem>>, vector<16xf32>,
      tpu.vector_store %arg9[%swap3A_55], %broadcast_in_dim3A_7 {strides = array<i32>} : memref<5248xf32, #tpu.memory_space<vmem>>, vector<16xf32>,
      %scan3A_57 = arith.constant 0 : i32
      scf.yield %scan3A_57 : i32
    }
    %scan3A_13 = arith.constant 16 : i32
    %eq3A = arith.constant 31 : i32
    %eq3A_14 = arith.cmpi eq, %add3A, %eq3A : i32
    %convert_element_type3A = arith.extui %eq3A_14 : i1 to i32
    %cond3A = arith.constant 0 : i32
    %cond3A_15 = arith.cmpi ne, %convert_element_type3A, %cond3A : i32
    scf.if %cond3A_15 {
      "tpu.region"() ({
        %run_scoped3A_43 = tpu.sem_alloc : memref<!tpu.dma_semaphore, #tpu.memory_space<semaphore_mem>>
        %dma_start3A = arith.constant 0 : i32
        %dma_start3A_44 = arith.constant 0 : i32
        %dma_start3A_45 = tpu.memref_slice %arg8[%dma_start3A, %dma_start3A_44] : memref<2x5248xi32, #tpu.memory_space<vmem>> -> memref<2x5248xi32, #tpu.memory_space<vmem>>
        %dma_start3A_46 = arith.constant 0 : i32
        %dma_start3A_47 = tpu.memref_slice %arg2[%dma_start3A_46, %mul3A_2] : memref<2x160000xi32, #tpu.memory_space<hbm>> -> memref<2x5248xi32, #tpu.memory_space<hbm>>
        %dma_start3A_48 = arith.constant 0 : i32
        %dma_start3A_49 = arith.constant 0 : i32
        %dma_start3A_50 = tpu.memref_slice %arg8[%dma_start3A_48, %dma_start3A_49] : memref<2x5248xi32, #tpu.memory_space<vmem>> -> memref<2x5248xi32, #tpu.memory_space<vmem>>
        %dma_start3A_51 = arith.constant 0 : i32
        %dma_start3A_52 = tpu.memref_slice %arg2[%dma_start3A_51, %mul3A_2] : memref<2x160000xi32, #tpu.memory_space<hbm>> -> memref<2x5248xi32, #tpu.memory_space<hbm>>
        tpu.enqueue_dma source(%dma_start3A_52 : memref<2x5248xi32, #tpu.memory_space<hbm>>) target(%dma_start3A_50 : memref<2x5248xi32, #tpu.memory_space<vmem>>) target_semaphore(%run_scoped3A_43 : memref<!tpu.dma_semaphore, #tpu.memory_space<semaphore_mem>>)
        %dma_wait3A = arith.constant 0 : i32
        %dma_wait3A_53 = arith.constant 0 : i32
        %dma_wait3A_54 = tpu.memref_slice %arg8[%dma_wait3A, %dma_wait3A_53] : memref<2x5248xi32, #tpu.memory_space<vmem>> -> memref<2x5248xi32, #tpu.memory_space<vmem>>
        %dma_wait3A_55 = arith.constant 0 : i32
        %dma_wait3A_56 = tpu.memref_slice %arg2[%dma_wait3A_55, %mul3A_2] : memref<2x160000xi32, #tpu.memory_space<hbm>> -> memref<2x5248xi32, #tpu.memory_space<hbm>>
        %dma_wait3A_57 = arith.constant 0 : i32
        %dma_wait3A_58 = arith.constant 0 : i32
        %dma_wait3A_59 = tpu.memref_slice %arg8[%dma_wait3A_57, %dma_wait3A_58] : memref<2x5248xi32, #tpu.memory_space<vmem>> -> memref<2x5248xi32, #tpu.memory_space<vmem>>
        %dma_wait3A_60 = arith.constant 0 : i32
        %dma_wait3A_61 = tpu.memref_slice %arg2[%dma_wait3A_60, %mul3A_2] : memref<2x160000xi32, #tpu.memory_space<hbm>> -> memref<2x5248xi32, #tpu.memory_space<hbm>>
        tpu.wait_dma2 semaphore(%run_scoped3A_43 : memref<!tpu.dma_semaphore, #tpu.memory_space<semaphore_mem>>) src(%dma_wait3A_61 : memref<2x5248xi32, #tpu.memory_space<hbm>>) dst(%dma_wait3A_59 : memref<2x5248xi32, #tpu.memory_space<vmem>>)
        tpu.yield
      }) : () -> ()
      %run_scoped3A_42 = arith.constant 0 : i32
      "tpu.region"() ({
        %run_scoped3A_43 = tpu.sem_alloc : memref<!tpu.dma_semaphore, #tpu.memory_space<semaphore_mem>>
        %dma_start3A = arith.constant 0 : i32
        %dma_start3A_44 = tpu.memref_slice %arg9[%dma_start3A] : memref<5248xf32, #tpu.memory_space<vmem>> -> memref<5248xf32, #tpu.memory_space<vmem>>
        %dma_start3A_45 = tpu.memref_slice %arg3[%run_scoped3A_42, %mul3A_2] : memref<1x160000xf32, #tpu.memory_space<hbm>> -> memref<1x5248xf32, #tpu.memory_space<hbm>>
        %dma_start3A_46 = tpu.memref_squeeze %dma_start3A_45 : memref<1x5248xf32, #tpu.memory_space<hbm>> -> memref<5248xf32, #tpu.memory_space<hbm>>
        %dma_start3A_47 = arith.constant 0 : i32
        %dma_start3A_48 = tpu.memref_slice %arg9[%dma_start3A_47] : memref<5248xf32, #tpu.memory_space<vmem>> -> memref<5248xf32, #tpu.memory_space<vmem>>
        %dma_start3A_49 = tpu.memref_slice %arg3[%run_scoped3A_42, %mul3A_2] : memref<1x160000xf32, #tpu.memory_space<hbm>> -> memref<1x5248xf32, #tpu.memory_space<hbm>>
        %dma_start3A_50 = tpu.memref_squeeze %dma_start3A_49 : memref<1x5248xf32, #tpu.memory_space<hbm>> -> memref<5248xf32, #tpu.memory_space<hbm>>
        tpu.enqueue_dma source(%dma_start3A_50 : memref<5248xf32, #tpu.memory_space<hbm>>) target(%dma_start3A_48 : memref<5248xf32, #tpu.memory_space<vmem>>) target_semaphore(%run_scoped3A_43 : memref<!tpu.dma_semaphore, #tpu.memory_space<semaphore_mem>>)
        %dma_wait3A = arith.constant 0 : i32
        %dma_wait3A_51 = tpu.memref_slice %arg9[%dma_wait3A] : memref<5248xf32, #tpu.memory_space<vmem>> -> memref<5248xf32, #tpu.memory_space<vmem>>
        %dma_wait3A_52 = tpu.memref_slice %arg3[%run_scoped3A_42, %mul3A_2] : memref<1x160000xf32, #tpu.memory_space<hbm>> -> memref<1x5248xf32, #tpu.memory_space<hbm>>
        %dma_wait3A_53 = tpu.memref_squeeze %dma_wait3A_52 : memref<1x5248xf32, #tpu.memory_space<hbm>> -> memref<5248xf32, #tpu.memory_space<hbm>>
        %dma_wait3A_54 = arith.constant 0 : i32
        %dma_wait3A_55 = tpu.memref_slice %arg9[%dma_wait3A_54] : memref<5248xf32, #tpu.memory_space<vmem>> -> memref<5248xf32, #tpu.memory_space<vmem>>
        %dma_wait3A_56 = tpu.memref_slice %arg3[%run_scoped3A_42, %mul3A_2] : memref<1x160000xf32, #tpu.memory_space<hbm>> -> memref<1x5248xf32, #tpu.memory_space<hbm>>
        %dma_wait3A_57 = tpu.memref_squeeze %dma_wait3A_56 : memref<1x5248xf32, #tpu.memory_space<hbm>> -> memref<5248xf32, #tpu.memory_space<hbm>>
        tpu.wait_dma2 semaphore(%run_scoped3A_43 : memref<!tpu.dma_semaphore, #tpu.memory_space<semaphore_mem>>) src(%dma_wait3A_57 : memref<5248xf32, #tpu.memory_space<hbm>>) dst(%dma_wait3A_55 : memref<5248xf32, #tpu.memory_space<vmem>>)
        tpu.yield
      }) : () -> ()
    } else {
    }
    %lt3A = arith.constant 31 : i32
    %lt3A_16 = arith.cmpi slt, %add3A, %lt3A : i32
    %convert_element_type3A_17 = arith.extui %lt3A_16 : i1 to i32
    %cond3A_18 = arith.constant 0 : i32
    %cond3A_19 = arith.cmpi ne, %convert_element_type3A_17, %cond3A_18 : i32
    scf.if %cond3A_19 {
      "tpu.region"() ({
        %run_scoped3A_43 = tpu.sem_alloc : memref<!tpu.dma_semaphore, #tpu.memory_space<semaphore_mem>>
        %dma_start3A = arith.constant 0 : i32
        %dma_start3A_44 = arith.constant 0 : i32
        %dma_start3A_45 = tpu.memref_slice %arg8[%dma_start3A, %dma_start3A_44] : memref<2x5248xi32, #tpu.memory_space<vmem>> -> memref<2x4992xi32, #tpu.memory_space<vmem>>
        %dma_start3A_46 = arith.constant 0 : i32
        %dma_start3A_47 = tpu.memref_slice %arg2[%dma_start3A_46, %mul3A_2] : memref<2x160000xi32, #tpu.memory_space<hbm>> -> memref<2x4992xi32, #tpu.memory_space<hbm>>
        %dma_start3A_48 = arith.constant 0 : i32
        %dma_start3A_49 = arith.constant 0 : i32
        %dma_start3A_50 = tpu.memref_slice %arg8[%dma_start3A_48, %dma_start3A_49] : memref<2x5248xi32, #tpu.memory_space<vmem>> -> memref<2x4992xi32, #tpu.memory_space<vmem>>
        %dma_start3A_51 = arith.constant 0 : i32
        %dma_start3A_52 = tpu.memref_slice %arg2[%dma_start3A_51, %mul3A_2] : memref<2x160000xi32, #tpu.memory_space<hbm>> -> memref<2x4992xi32, #tpu.memory_space<hbm>>
        tpu.enqueue_dma source(%dma_start3A_52 : memref<2x4992xi32, #tpu.memory_space<hbm>>) target(%dma_start3A_50 : memref<2x4992xi32, #tpu.memory_space<vmem>>) target_semaphore(%run_scoped3A_43 : memref<!tpu.dma_semaphore, #tpu.memory_space<semaphore_mem>>)
        %dma_wait3A = arith.constant 0 : i32
        %dma_wait3A_53 = arith.constant 0 : i32
        %dma_wait3A_54 = tpu.memref_slice %arg8[%dma_wait3A, %dma_wait3A_53] : memref<2x5248xi32, #tpu.memory_space<vmem>> -> memref<2x4992xi32, #tpu.memory_space<vmem>>
        %dma_wait3A_55 = arith.constant 0 : i32
        %dma_wait3A_56 = tpu.memref_slice %arg2[%dma_wait3A_55, %mul3A_2] : memref<2x160000xi32, #tpu.memory_space<hbm>> -> memref<2x4992xi32, #tpu.memory_space<hbm>>
        %dma_wait3A_57 = arith.constant 0 : i32
        %dma_wait3A_58 = arith.constant 0 : i32
        %dma_wait3A_59 = tpu.memref_slice %arg8[%dma_wait3A_57, %dma_wait3A_58] : memref<2x5248xi32, #tpu.memory_space<vmem>> -> memref<2x4992xi32, #tpu.memory_space<vmem>>
        %dma_wait3A_60 = arith.constant 0 : i32
        %dma_wait3A_61 = tpu.memref_slice %arg2[%dma_wait3A_60, %mul3A_2] : memref<2x160000xi32, #tpu.memory_space<hbm>> -> memref<2x4992xi32, #tpu.memory_space<hbm>>
        tpu.wait_dma2 semaphore(%run_scoped3A_43 : memref<!tpu.dma_semaphore, #tpu.memory_space<semaphore_mem>>) src(%dma_wait3A_61 : memref<2x4992xi32, #tpu.memory_space<hbm>>) dst(%dma_wait3A_59 : memref<2x4992xi32, #tpu.memory_space<vmem>>)
        tpu.yield
      }) : () -> ()
      %run_scoped3A_42 = arith.constant 0 : i32
      "tpu.region"() ({
        %run_scoped3A_43 = tpu.sem_alloc : memref<!tpu.dma_semaphore, #tpu.memory_space<semaphore_mem>>
        %dma_start3A = arith.constant 0 : i32
        %dma_start3A_44 = tpu.memref_slice %arg9[%dma_start3A] : memref<5248xf32, #tpu.memory_space<vmem>> -> memref<4992xf32, #tpu.memory_space<vmem>>
        %dma_start3A_45 = tpu.memref_slice %arg3[%run_scoped3A_42, %mul3A_2] : memref<1x160000xf32, #tpu.memory_space<hbm>> -> memref<1x4992xf32, #tpu.memory_space<hbm>>
        %dma_start3A_46 = tpu.memref_squeeze %dma_start3A_45 : memref<1x4992xf32, #tpu.memory_space<hbm>> -> memref<4992xf32, #tpu.memory_space<hbm>>
        %dma_start3A_47 = arith.constant 0 : i32
        %dma_start3A_48 = tpu.memref_slice %arg9[%dma_start3A_47] : memref<5248xf32, #tpu.memory_space<vmem>> -> memref<4992xf32, #tpu.memory_space<vmem>>
        %dma_start3A_49 = tpu.memref_slice %arg3[%run_scoped3A_42, %mul3A_2] : memref<1x160000xf32, #tpu.memory_space<hbm>> -> memref<1x4992xf32, #tpu.memory_space<hbm>>
        %dma_start3A_50 = tpu.memref_squeeze %dma_start3A_49 : memref<1x4992xf32, #tpu.memory_space<hbm>> -> memref<4992xf32, #tpu.memory_space<hbm>>
        tpu.enqueue_dma source(%dma_start3A_50 : memref<4992xf32, #tpu.memory_space<hbm>>) target(%dma_start3A_48 : memref<4992xf32, #tpu.memory_space<vmem>>) target_semaphore(%run_scoped3A_43 : memref<!tpu.dma_semaphore, #tpu.memory_space<semaphore_mem>>)
        %dma_wait3A = arith.constant 0 : i32
        %dma_wait3A_51 = tpu.memref_slice %arg9[%dma_wait3A] : memref<5248xf32, #tpu.memory_space<vmem>> -> memref<4992xf32, #tpu.memory_space<vmem>>
        %dma_wait3A_52 = tpu.memref_slice %arg3[%run_scoped3A_42, %mul3A_2] : memref<1x160000xf32, #tpu.memory_space<hbm>> -> memref<1x4992xf32, #tpu.memory_space<hbm>>
        %dma_wait3A_53 = tpu.memref_squeeze %dma_wait3A_52 : memref<1x4992xf32, #tpu.memory_space<hbm>> -> memref<4992xf32, #tpu.memory_space<hbm>>
        %dma_wait3A_54 = arith.constant 0 : i32
        %dma_wait3A_55 = tpu.memref_slice %arg9[%dma_wait3A_54] : memref<5248xf32, #tpu.memory_space<vmem>> -> memref<4992xf32, #tpu.memory_space<vmem>>
        %dma_wait3A_56 = tpu.memref_slice %arg3[%run_scoped3A_42, %mul3A_2] : memref<1x160000xf32, #tpu.memory_space<hbm>> -> memref<1x4992xf32, #tpu.memory_space<hbm>>
        %dma_wait3A_57 = tpu.memref_squeeze %dma_wait3A_56 : memref<1x4992xf32, #tpu.memory_space<hbm>> -> memref<4992xf32, #tpu.memory_space<hbm>>
        tpu.wait_dma2 semaphore(%run_scoped3A_43 : memref<!tpu.dma_semaphore, #tpu.memory_space<semaphore_mem>>) src(%dma_wait3A_57 : memref<4992xf32, #tpu.memory_space<hbm>>) dst(%dma_wait3A_55 : memref<4992xf32, #tpu.memory_space<vmem>>)
        tpu.yield
      }) : () -> ()
    } else {
    }
    %run_scoped3A = arith.constant 0 : i32
    "tpu.region"() ({
      %run_scoped3A_42 = tpu.sem_alloc : memref<!tpu.dma_semaphore, #tpu.memory_space<semaphore_mem>>
      %dma_start3A = arith.constant 0 : i32
      %dma_start3A_43 = tpu.memref_slice %arg14[%dma_start3A] : memref<256xf32, #tpu.memory_space<vmem>> -> memref<128xf32, #tpu.memory_space<vmem>>
      %dma_start3A_44 = arith.constant 0 : i32
      %dma_start3A_45 = tpu.memref_slice %arg4[%run_scoped3A, %dma_start3A_44] : memref<1x128xf32, #tpu.memory_space<hbm>> -> memref<1x128xf32, #tpu.memory_space<hbm>>
      %dma_start3A_46 = tpu.memref_squeeze %dma_start3A_45 : memref<1x128xf32, #tpu.memory_space<hbm>> -> memref<128xf32, #tpu.memory_space<hbm>>
      %dma_start3A_47 = arith.constant 0 : i32
      %dma_start3A_48 = tpu.memref_slice %arg14[%dma_start3A_47] : memref<256xf32, #tpu.memory_space<vmem>> -> memref<128xf32, #tpu.memory_space<vmem>>
      %dma_start3A_49 = arith.constant 0 : i32
      %dma_start3A_50 = tpu.memref_slice %arg4[%run_scoped3A, %dma_start3A_49] : memref<1x128xf32, #tpu.memory_space<hbm>> -> memref<1x128xf32, #tpu.memory_space<hbm>>
      %dma_start3A_51 = tpu.memref_squeeze %dma_start3A_50 : memref<1x128xf32, #tpu.memory_space<hbm>> -> memref<128xf32, #tpu.memory_space<hbm>>
      tpu.enqueue_dma source(%dma_start3A_51 : memref<128xf32, #tpu.memory_space<hbm>>) target(%dma_start3A_48 : memref<128xf32, #tpu.memory_space<vmem>>) target_semaphore(%run_scoped3A_42 : memref<!tpu.dma_semaphore, #tpu.memory_space<semaphore_mem>>)
      %dma_wait3A = arith.constant 0 : i32
      %dma_wait3A_52 = tpu.memref_slice %arg14[%dma_wait3A] : memref<256xf32, #tpu.memory_space<vmem>> -> memref<128xf32, #tpu.memory_space<vmem>>
      %dma_wait3A_53 = arith.constant 0 : i32
      %dma_wait3A_54 = tpu.memref_slice %arg4[%run_scoped3A, %dma_wait3A_53] : memref<1x128xf32, #tpu.memory_space<hbm>> -> memref<1x128xf32, #tpu.memory_space<hbm>>
      %dma_wait3A_55 = tpu.memref_squeeze %dma_wait3A_54 : memref<1x128xf32, #tpu.memory_space<hbm>> -> memref<128xf32, #tpu.memory_space<hbm>>
      %dma_wait3A_56 = arith.constant 0 : i32
      %dma_wait3A_57 = tpu.memref_slice %arg14[%dma_wait3A_56] : memref<256xf32, #tpu.memory_space<vmem>> -> memref<128xf32, #tpu.memory_space<vmem>>
      %dma_wait3A_58 = arith.constant 0 : i32
      %dma_wait3A_59 = tpu.memref_slice %arg4[%run_scoped3A, %dma_wait3A_58] : memref<1x128xf32, #tpu.memory_space<hbm>> -> memref<1x128xf32, #tpu.memory_space<hbm>>
      %dma_wait3A_60 = tpu.memref_squeeze %dma_wait3A_59 : memref<1x128xf32, #tpu.memory_space<hbm>> -> memref<128xf32, #tpu.memory_space<hbm>>
      tpu.wait_dma2 semaphore(%run_scoped3A_42 : memref<!tpu.dma_semaphore, #tpu.memory_space<semaphore_mem>>) src(%dma_wait3A_60 : memref<128xf32, #tpu.memory_space<hbm>>) dst(%dma_wait3A_57 : memref<128xf32, #tpu.memory_space<vmem>>)
      tpu.yield
    }) : () -> ()
    %run_scoped3A_20 = arith.constant 0 : i32
    "tpu.region"() ({
      %run_scoped3A_42 = tpu.sem_alloc : memref<!tpu.dma_semaphore, #tpu.memory_space<semaphore_mem>>
      %dma_start3A = arith.constant 128 : i32
      %dma_start3A_43 = tpu.memref_slice %arg14[%dma_start3A] : memref<256xf32, #tpu.memory_space<vmem>> -> memref<128xf32, #tpu.memory_space<vmem>>
      %dma_start3A_44 = arith.constant 0 : i32
      %dma_start3A_45 = tpu.memref_slice %arg5[%run_scoped3A_20, %dma_start3A_44] : memref<1x128xf32, #tpu.memory_space<hbm>> -> memref<1x128xf32, #tpu.memory_space<hbm>>
      %dma_start3A_46 = tpu.memref_squeeze %dma_start3A_45 : memref<1x128xf32, #tpu.memory_space<hbm>> -> memref<128xf32, #tpu.memory_space<hbm>>
      %dma_start3A_47 = arith.constant 128 : i32
      %dma_start3A_48 = tpu.memref_slice %arg14[%dma_start3A_47] : memref<256xf32, #tpu.memory_space<vmem>> -> memref<128xf32, #tpu.memory_space<vmem>>
      %dma_start3A_49 = arith.constant 0 : i32
      %dma_start3A_50 = tpu.memref_slice %arg5[%run_scoped3A_20, %dma_start3A_49] : memref<1x128xf32, #tpu.memory_space<hbm>> -> memref<1x128xf32, #tpu.memory_space<hbm>>
      %dma_start3A_51 = tpu.memref_squeeze %dma_start3A_50 : memref<1x128xf32, #tpu.memory_space<hbm>> -> memref<128xf32, #tpu.memory_space<hbm>>
      tpu.enqueue_dma source(%dma_start3A_51 : memref<128xf32, #tpu.memory_space<hbm>>) target(%dma_start3A_48 : memref<128xf32, #tpu.memory_space<vmem>>) target_semaphore(%run_scoped3A_42 : memref<!tpu.dma_semaphore, #tpu.memory_space<semaphore_mem>>)
      %dma_wait3A = arith.constant 128 : i32
      %dma_wait3A_52 = tpu.memref_slice %arg14[%dma_wait3A] : memref<256xf32, #tpu.memory_space<vmem>> -> memref<128xf32, #tpu.memory_space<vmem>>
      %dma_wait3A_53 = arith.constant 0 : i32
      %dma_wait3A_54 = tpu.memref_slice %arg5[%run_scoped3A_20, %dma_wait3A_53] : memref<1x128xf32, #tpu.memory_space<hbm>> -> memref<1x128xf32, #tpu.memory_space<hbm>>
      %dma_wait3A_55 = tpu.memref_squeeze %dma_wait3A_54 : memref<1x128xf32, #tpu.memory_space<hbm>> -> memref<128xf32, #tpu.memory_space<hbm>>
      %dma_wait3A_56 = arith.constant 128 : i32
      %dma_wait3A_57 = tpu.memref_slice %arg14[%dma_wait3A_56] : memref<256xf32, #tpu.memory_space<vmem>> -> memref<128xf32, #tpu.memory_space<vmem>>
      %dma_wait3A_58 = arith.constant 0 : i32
      %dma_wait3A_59 = tpu.memref_slice %arg5[%run_scoped3A_20, %dma_wait3A_58] : memref<1x128xf32, #tpu.memory_space<hbm>> -> memref<1x128xf32, #tpu.memory_space<hbm>>
      %dma_wait3A_60 = tpu.memref_squeeze %dma_wait3A_59 : memref<1x128xf32, #tpu.memory_space<hbm>> -> memref<128xf32, #tpu.memory_space<hbm>>
      tpu.wait_dma2 semaphore(%run_scoped3A_42 : memref<!tpu.dma_semaphore, #tpu.memory_space<semaphore_mem>>) src(%dma_wait3A_60 : memref<128xf32, #tpu.memory_space<hbm>>) dst(%dma_wait3A_57 : memref<128xf32, #tpu.memory_space<vmem>>)
      tpu.yield
    }) : () -> ()
    %scan3A_21 = arith.constant 0 : i32
    %scan3A_22 = arith.constant 0 : i32
    %scan3A_23 = arith.constant 632 : i32
    %scan3A_24 = arith.addi %scan3A_22, %scan3A_23 : i32
    %scan3A_25 = arith.constant 1 : i32
    %scan3A_26 = scf.for %scan3A_42 = %scan3A_22 to %scan3A_24 step %scan3A_25 iter_args(%scan3A_43 = %scan3A_21) -> (i32)  : i32 {
      %mul3A_44 = arith.constant 16 : i32
      %mul3A_45 = arith.muli %scan3A_42, %mul3A_44 : i32
      %swap3A = arith.index_cast %mul3A_45 : i32 to index
      %swap3A_46 = tpu.vector_load %arg12[%swap3A] {strides = array<i32>} : memref<10112xf32, #tpu.memory_space<vmem>>, vector<16xf32>,
      tpu.vector_store %arg12[%swap3A], %broadcast_in_dim3A_3 {strides = array<i32>} : memref<10112xf32, #tpu.memory_space<vmem>>, vector<16xf32>,
      %mul3A_47 = arith.constant 16 : i32
      %mul3A_48 = arith.muli %scan3A_42, %mul3A_47 : i32
      %swap3A_49 = arith.index_cast %mul3A_48 : i32 to index
      %swap3A_50 = tpu.vector_load %arg13[%swap3A_49] {strides = array<i32>} : memref<10112xf32, #tpu.memory_space<vmem>>, vector<16xf32>,
      tpu.vector_store %arg13[%swap3A_49], %broadcast_in_dim3A_3 {strides = array<i32>} : memref<10112xf32, #tpu.memory_space<vmem>>, vector<16xf32>,
      %scan3A_51 = arith.constant 0 : i32
      scf.yield %scan3A_51 : i32
    }
    %scan3A_27 = arith.constant 632 : i32
    %get3A = arith.constant 0 : index
    %get3A_28 = tpu.vector_load %arg14[%get3A] {strides = array<i32>} : memref<256xf32, #tpu.memory_space<vmem>>, vector<16xf32>,
    %get3A_29 = arith.constant 128 : index
    %get3A_30 = tpu.vector_load %arg14[%get3A_29] {strides = array<i32>} : memref<256xf32, #tpu.memory_space<vmem>>, vector<16xf32>,
    %scan3A_31 = arith.constant 0 : i32
    %scan3A_32 = arith.constant 0 : i32
    %scan3A_33 = arith.constant 328 : i32
    %scan3A_34 = arith.addi %scan3A_32, %scan3A_33 : i32
    %scan3A_35 = arith.constant 1 : i32
    %scan3A_36 = scf.for %scan3A_42 = %scan3A_32 to %scan3A_34 step %scan3A_35 iter_args(%scan3A_43 = %scan3A_31) -> (i32)  : i32 {
      %mul3A_44 = arith.constant 16 : i32
      %mul3A_45 = arith.muli %scan3A_42, %mul3A_44 : i32
      %get3A_46 = arith.constant 1 : i32
      %get3A_47 = arith.index_cast %get3A_46 : i32 to index
      %get3A_48 = arith.index_cast %mul3A_45 : i32 to index
      %get3A_49 = tpu.vector_load %arg8[%get3A_47, %get3A_48] {strides = array<i32>} : memref<2x5248xi32, #tpu.memory_space<vmem>>, vector<16xi32>,
      %mul3A_50 = arith.constant 16 : i32
      %mul3A_51 = arith.muli %scan3A_42, %mul3A_50 : i32
      %get3A_52 = arith.constant 0 : i32
      %get3A_53 = arith.index_cast %get3A_52 : i32 to index
      %get3A_54 = arith.index_cast %mul3A_51 : i32 to index
      %get3A_55 = tpu.vector_load %arg8[%get3A_53, %get3A_54] {strides = array<i32>} : memref<2x5248xi32, #tpu.memory_space<vmem>>, vector<16xi32>,
      %mul3A_56 = arith.constant 16 : i32
      %mul3A_57 = arith.muli %scan3A_42, %mul3A_56 : i32
      %get3A_58 = arith.index_cast %mul3A_57 : i32 to index
      %get3A_59 = tpu.vector_load %arg9[%get3A_58] {strides = array<i32>} : memref<5248xf32, #tpu.memory_space<vmem>>, vector<16xf32>,
      %sub3A = arith.subf %get3A_59, %get3A_28 : vector<16xf32>
      %exp3A = math.exp %sub3A : vector<16xf32>
      %mul3A_60 = arith.mulf %exp3A, %get3A_30 : vector<16xf32>
      %masked_sort3A = arith.constant dense<true> : vector<16xi1>
      %masked_sort3A_61 = arith.constant -2147483648 : i32
      %masked_sort3A_62 = vector.broadcast %masked_sort3A_61 : i32 to vector<16xi32>
      %masked_sort3A_63 = arith.xori %get3A_49, %masked_sort3A_62 : vector<16xi32>
      %masked_sort3A_64, %masked_sort3A_65, %masked_sort3A_66 = tpu.sort %masked_sort3A_63, %mul3A_60 masked %masked_sort3A : (vector<16xi32>, vector<16xf32>, vector<16xi1>) -> (vector<16xi1>, vector<16xi32>, vector<16xf32>)
      %masked_sort3A_67 = arith.xori %masked_sort3A_65, %masked_sort3A_62 : vector<16xi32>
      %broadcast_in_dim3A_68 = arith.constant true
      %broadcast_in_dim3A_69 = vector.broadcast %broadcast_in_dim3A_68 : i1 to vector<16xi1>
      %masked_cumsum3A = tpu.scan <sum>, %masked_sort3A_66 masked %broadcast_in_dim3A_69 : vector<16xf32>, vector<16xi1> -> vector<16xf32>
      %swap3A = arith.constant 0 : index
      %swap3A_70 = tpu.vector_load %arg10[%swap3A] {strides = array<i32>} : memref<16xi32, #tpu.memory_space<vmem>>, vector<16xi32>,
      tpu.vector_store %arg10[%swap3A], %masked_sort3A_67 {strides = array<i32>} : memref<16xi32, #tpu.memory_space<vmem>>, vector<16xi32>,
      %swap3A_71 = arith.constant 0 : index
      %swap3A_72 = tpu.vector_load %arg11[%swap3A_71] {strides = array<i32>} : memref<16xf32, #tpu.memory_space<vmem>>, vector<16xf32>,
      tpu.vector_store %arg11[%swap3A_71], %masked_cumsum3A {strides = array<i32>} : memref<16xf32, #tpu.memory_space<vmem>>, vector<16xf32>,
      %add3A_73 = arith.constant 1 : i32
      %add3A_74 = vector.broadcast %add3A_73 : i32 to vector<16xi32>
      %add3A_75 = arith.addi %iota3A, %add3A_74 : vector<16xi32>
      %min3A = arith.constant 15 : i32
      %min3A_76 = vector.broadcast %min3A : i32 to vector<16xi32>
      %min3A_77 = arith.minsi %add3A_75, %min3A_76 : vector<16xi32>
      %gather3A = tpu.vector_load_idx %arg10[%min3A_77] : memref<16xi32, #tpu.memory_space<vmem>>[vector<16xi32>], vector<16xi32>,
      %sub3A_78 = arith.constant 1 : i32
      %sub3A_79 = vector.broadcast %sub3A_78 : i32 to vector<16xi32>
      %sub3A_80 = arith.subi %iota3A, %sub3A_79 : vector<16xi32>
      %max3A = arith.constant 0 : i32
      %max3A_81 = vector.broadcast %max3A : i32 to vector<16xi32>
      %max3A_82 = arith.maxsi %sub3A_80, %max3A_81 : vector<16xi32>
      %gather3A_83 = tpu.vector_load_idx %arg10[%max3A_82] : memref<16xi32, #tpu.memory_space<vmem>>[vector<16xi32>], vector<16xi32>,
      %sub3A_84 = arith.constant 1 : i32
      %sub3A_85 = vector.broadcast %sub3A_84 : i32 to vector<16xi32>
      %sub3A_86 = arith.subi %iota3A, %sub3A_85 : vector<16xi32>
      %max3A_87 = arith.constant 0 : i32
      %max3A_88 = vector.broadcast %max3A_87 : i32 to vector<16xi32>
      %max3A_89 = arith.maxsi %sub3A_86, %max3A_88 : vector<16xi32>
      %gather3A_90 = tpu.vector_load_idx %arg11[%max3A_89] : memref<16xf32, #tpu.memory_space<vmem>>[vector<16xi32>], vector<16xf32>,
      %ne3A = arith.cmpi ne, %masked_sort3A_67, %gather3A : vector<16xi32>
      %eq3A_91 = arith.constant 15 : i32
      %eq3A_92 = vector.broadcast %eq3A_91 : i32 to vector<16xi32>
      %eq3A_93 = arith.cmpi eq, %iota3A, %eq3A_92 : vector<16xi32>
      %or3A = arith.ori %ne3A, %eq3A_93 : vector<16xi1>
      %ne3A_94 = arith.cmpi ne, %masked_sort3A_67, %gather3A_83 : vector<16xi32>
      %gt3A = arith.constant 0 : i32
      %gt3A_95 = vector.broadcast %gt3A : i32 to vector<16xi32>
      %gt3A_96 = arith.cmpi sgt, %iota3A, %gt3A_95 : vector<16xi32>
      %and3A = arith.andi %ne3A_94, %gt3A_96 : vector<16xi1>
      tpu.vector_store_idx %arg12[%masked_sort3A_67], %masked_cumsum3A masked %or3A {add = true} : memref<10112xf32, #tpu.memory_space<vmem>>[vector<16xi32>], vector<16xf32>, vector<16xi1>
      %neg3A = arith.constant 0.000000e+00 : f32
      %neg3A_97 = vector.broadcast %neg3A : f32 to vector<16xf32>
      %neg3A_98 = arith.subf %neg3A_97, %gather3A_90 : vector<16xf32>
      tpu.vector_store_idx %arg12[%masked_sort3A_67], %neg3A_98 masked %and3A {add = true} : memref<10112xf32, #tpu.memory_space<vmem>>[vector<16xi32>], vector<16xf32>, vector<16xi1>
      %eq3A_99 = arith.constant 0 : i32
      %eq3A_100 = vector.broadcast %eq3A_99 : i32 to vector<16xi32>
      %eq3A_101 = arith.cmpi eq, %get3A_49, %eq3A_100 : vector<16xi32>
      %jit3A = arith.constant 0.000000e+00 : f32
      %broadcast_in_dim3A_102 = vector.broadcast %jit3A : f32 to vector<16xf32>
      %select_n3A = arith.select %eq3A_101, %mul3A_60, %broadcast_in_dim3A_102 : vector<16xi1>, vector<16xf32>
      %reduce_max3A = arith.constant true
      %reduce_max3A_103 = vector.broadcast %reduce_max3A : i1 to vector<16xi1>
      %reduce_max3A_104 = tpu.scan <max>, %select_n3A masked %reduce_max3A_103 : vector<16xf32>, vector<16xi1> -> vector<16xf32>
      %reduce_max3A_105 = vector.extract %reduce_max3A_104[15] : f32 from vector<16xf32>
      %gt3A_106 = arith.constant 0.000000e+00 : f32
      %gt3A_107 = arith.cmpf ogt, %reduce_max3A_105, %gt3A_106 : f32
      %convert_element_type3A_108 = arith.extui %gt3A_107 : i1 to i32
      %cond3A_109 = arith.constant 0 : i32
      %cond3A_110 = arith.cmpi ne, %convert_element_type3A_108, %cond3A_109 : i32
      scf.if %cond3A_110 {
        %masked_sort3A_112 = arith.constant dense<true> : vector<16xi1>
        %masked_sort3A_113 = arith.constant -2147483648 : i32
        %masked_sort3A_114 = vector.broadcast %masked_sort3A_113 : i32 to vector<16xi32>
        %masked_sort3A_115 = arith.xori %get3A_55, %masked_sort3A_114 : vector<16xi32>
        %masked_sort3A_116, %masked_sort3A_117, %masked_sort3A_118 = tpu.sort %masked_sort3A_115, %select_n3A masked %masked_sort3A_112 : (vector<16xi32>, vector<16xf32>, vector<16xi1>) -> (vector<16xi1>, vector<16xi32>, vector<16xf32>)
        %masked_sort3A_119 = arith.xori %masked_sort3A_117, %masked_sort3A_114 : vector<16xi32>
        %broadcast_in_dim3A_120 = arith.constant true
        %broadcast_in_dim3A_121 = vector.broadcast %broadcast_in_dim3A_120 : i1 to vector<16xi1>
        %masked_cumsum3A_122 = tpu.scan <sum>, %masked_sort3A_118 masked %broadcast_in_dim3A_121 : vector<16xf32>, vector<16xi1> -> vector<16xf32>
        %swap3A_123 = arith.constant 0 : index
        %swap3A_124 = tpu.vector_load %arg10[%swap3A_123] {strides = array<i32>} : memref<16xi32, #tpu.memory_space<vmem>>, vector<16xi32>,
        tpu.vector_store %arg10[%swap3A_123], %masked_sort3A_119 {strides = array<i32>} : memref<16xi32, #tpu.memory_space<vmem>>, vector<16xi32>,
        %swap3A_125 = arith.constant 0 : index
        %swap3A_126 = tpu.vector_load %arg11[%swap3A_125] {strides = array<i32>} : memref<16xf32, #tpu.memory_space<vmem>>, vector<16xf32>,
        tpu.vector_store %arg11[%swap3A_125], %masked_cumsum3A_122 {strides = array<i32>} : memref<16xf32, #tpu.memory_space<vmem>>, vector<16xf32>,
        %add3A_127 = arith.constant 1 : i32
        %add3A_128 = vector.broadcast %add3A_127 : i32 to vector<16xi32>
        %add3A_129 = arith.addi %iota3A, %add3A_128 : vector<16xi32>
        %min3A_130 = arith.constant 15 : i32
        %min3A_131 = vector.broadcast %min3A_130 : i32 to vector<16xi32>
        %min3A_132 = arith.minsi %add3A_129, %min3A_131 : vector<16xi32>
        %gather3A_133 = tpu.vector_load_idx %arg10[%min3A_132] : memref<16xi32, #tpu.memory_space<vmem>>[vector<16xi32>], vector<16xi32>,
        %sub3A_134 = arith.constant 1 : i32
        %sub3A_135 = vector.broadcast %sub3A_134 : i32 to vector<16xi32>
        %sub3A_136 = arith.subi %iota3A, %sub3A_135 : vector<16xi32>
        %max3A_137 = arith.constant 0 : i32
        %max3A_138 = vector.broadcast %max3A_137 : i32 to vector<16xi32>
        %max3A_139 = arith.maxsi %sub3A_136, %max3A_138 : vector<16xi32>
        %gather3A_140 = tpu.vector_load_idx %arg10[%max3A_139] : memref<16xi32, #tpu.memory_space<vmem>>[vector<16xi32>], vector<16xi32>,
        %sub3A_141 = arith.constant 1 : i32
        %sub3A_142 = vector.broadcast %sub3A_141 : i32 to vector<16xi32>
        %sub3A_143 = arith.subi %iota3A, %sub3A_142 : vector<16xi32>
        %max3A_144 = arith.constant 0 : i32
        %max3A_145 = vector.broadcast %max3A_144 : i32 to vector<16xi32>
        %max3A_146 = arith.maxsi %sub3A_143, %max3A_145 : vector<16xi32>
        %gather3A_147 = tpu.vector_load_idx %arg11[%max3A_146] : memref<16xf32, #tpu.memory_space<vmem>>[vector<16xi32>], vector<16xf32>,
        %ne3A_148 = arith.cmpi ne, %masked_sort3A_119, %gather3A_133 : vector<16xi32>
        %eq3A_149 = arith.constant 15 : i32
        %eq3A_150 = vector.broadcast %eq3A_149 : i32 to vector<16xi32>
        %eq3A_151 = arith.cmpi eq, %iota3A, %eq3A_150 : vector<16xi32>
        %or3A_152 = arith.ori %ne3A_148, %eq3A_151 : vector<16xi1>
        %ne3A_153 = arith.cmpi ne, %masked_sort3A_119, %gather3A_140 : vector<16xi32>
        %gt3A_154 = arith.constant 0 : i32
        %gt3A_155 = vector.broadcast %gt3A_154 : i32 to vector<16xi32>
        %gt3A_156 = arith.cmpi sgt, %iota3A, %gt3A_155 : vector<16xi32>
        %and3A_157 = arith.andi %ne3A_153, %gt3A_156 : vector<16xi1>
        tpu.vector_store_idx %arg13[%masked_sort3A_119], %masked_cumsum3A_122 masked %or3A_152 {add = true} : memref<10112xf32, #tpu.memory_space<vmem>>[vector<16xi32>], vector<16xf32>, vector<16xi1>
        %neg3A_158 = arith.constant 0.000000e+00 : f32
        %neg3A_159 = vector.broadcast %neg3A_158 : f32 to vector<16xf32>
        %neg3A_160 = arith.subf %neg3A_159, %gather3A_147 : vector<16xf32>
        tpu.vector_store_idx %arg13[%masked_sort3A_119], %neg3A_160 masked %and3A_157 {add = true} : memref<10112xf32, #tpu.memory_space<vmem>>[vector<16xi32>], vector<16xf32>, vector<16xi1>
      } else {
      }
      %scan3A_111 = arith.constant 0 : i32
      scf.yield %scan3A_111 : i32
    }
    %scan3A_37 = arith.constant 328 : i32
    %mul3A_38 = arith.constant 10112 : i32
    %mul3A_39 = arith.muli %add3A, %mul3A_38 : i32
    "tpu.region"() ({
      %run_scoped3A_42 = tpu.sem_alloc : memref<!tpu.dma_semaphore, #tpu.memory_space<semaphore_mem>>
      %dma_start3A = tpu.memref_slice %arg6[%mul3A_39] : memref<323584xf32, #tpu.memory_space<hbm>> -> memref<10112xf32, #tpu.memory_space<hbm>>
      %dma_start3A_43 = tpu.memref_slice %arg6[%mul3A_39] : memref<323584xf32, #tpu.memory_space<hbm>> -> memref<10112xf32, #tpu.memory_space<hbm>>
      tpu.enqueue_dma source(%arg12 : memref<10112xf32, #tpu.memory_space<vmem>>) target(%dma_start3A_43 : memref<10112xf32, #tpu.memory_space<hbm>>) target_semaphore(%run_scoped3A_42 : memref<!tpu.dma_semaphore, #tpu.memory_space<semaphore_mem>>)
      %dma_wait3A = tpu.memref_slice %arg6[%mul3A_39] : memref<323584xf32, #tpu.memory_space<hbm>> -> memref<10112xf32, #tpu.memory_space<hbm>>
      %dma_wait3A_44 = tpu.memref_slice %arg6[%mul3A_39] : memref<323584xf32, #tpu.memory_space<hbm>> -> memref<10112xf32, #tpu.memory_space<hbm>>
      tpu.wait_dma2 semaphore(%run_scoped3A_42 : memref<!tpu.dma_semaphore, #tpu.memory_space<semaphore_mem>>) src(%arg12 : memref<10112xf32, #tpu.memory_space<vmem>>) dst(%dma_wait3A_44 : memref<10112xf32, #tpu.memory_space<hbm>>)
      tpu.yield
    }) : () -> ()
    %mul3A_40 = arith.constant 10112 : i32
    %mul3A_41 = arith.muli %add3A, %mul3A_40 : i32
    "tpu.region"() ({
      %run_scoped3A_42 = tpu.sem_alloc : memref<!tpu.dma_semaphore, #tpu.memory_space<semaphore_mem>>
      %dma_start3A = tpu.memref_slice %arg7[%mul3A_41] : memref<323584xf32, #tpu.memory_space<hbm>> -> memref<10112xf32, #tpu.memory_space<hbm>>
      %dma_start3A_43 = tpu.memref_slice %arg7[%mul3A_41] : memref<323584xf32, #tpu.memory_space<hbm>> -> memref<10112xf32, #tpu.memory_space<hbm>>
      tpu.enqueue_dma source(%arg13 : memref<10112xf32, #tpu.memory_space<vmem>>) target(%dma_start3A_43 : memref<10112xf32, #tpu.memory_space<hbm>>) target_semaphore(%run_scoped3A_42 : memref<!tpu.dma_semaphore, #tpu.memory_space<semaphore_mem>>)
      %dma_wait3A = tpu.memref_slice %arg7[%mul3A_41] : memref<323584xf32, #tpu.memory_space<hbm>> -> memref<10112xf32, #tpu.memory_space<hbm>>
      %dma_wait3A_44 = tpu.memref_slice %arg7[%mul3A_41] : memref<323584xf32, #tpu.memory_space<hbm>> -> memref<10112xf32, #tpu.memory_space<hbm>>
      tpu.wait_dma2 semaphore(%run_scoped3A_42 : memref<!tpu.dma_semaphore, #tpu.memory_space<semaphore_mem>>) src(%arg13 : memref<10112xf32, #tpu.memory_space<vmem>>) dst(%dma_wait3A_44 : memref<10112xf32, #tpu.memory_space<hbm>>)
      tpu.yield
    }) : () -> ()
    return
  }
}

module attributes {stable_mosaic.version = 14 : i64} {
  func.func @body(%arg0: i32, %arg1: memref<1x6400xf32, #tpu.memory_space<vmem>>, %arg2: memref<1x128xf32, #tpu.memory_space<vmem>>, %arg3: memref<1x128xf32, #tpu.memory_space<vmem>>, %arg4: memref<6400x512xf32, #tpu.memory_space<vmem>>, %arg5: memref<1x6400xf32, #tpu.memory_space<vmem>>, %arg6: memref<1x512xf32, #tpu.memory_space<vmem>>) attributes {dimension_semantics = [#tpu.dimension_semantics<arbitrary>], iteration_bounds = array<i64: 25>, scalar_prefetch = 0 : i64, scratch_operands = 0 : i64, tpu.core_type = #tpu.core_type<tc>, window_params = [{transform_indices = @transform_0, window_bounds = array<i64: 1, 6400>}, {pipeline_mode = #tpu.pipeline_mode<synchronous>, transform_indices = @transform_1, window_bounds = array<i64: 1, 128>}, {pipeline_mode = #tpu.pipeline_mode<synchronous>, transform_indices = @transform_2, window_bounds = array<i64: 1, 128>}, {transform_indices = @transform_3, window_bounds = array<i64: 6400, 512>}, {transform_indices = @transform_4, window_bounds = array<i64: 1, 6400>}, {pipeline_mode = #tpu.pipeline_mode<synchronous>, transform_indices = @transform_5, window_bounds = array<i64: 1, 512>}]} {
    %get3A = arith.constant 0 : index
    %get3A_0 = arith.constant 0 : index
    %get3A_1 = vector.load %arg1[%get3A, %get3A_0] : memref<1x6400xf32, #tpu.memory_space<vmem>>, vector<1x6400xf32>
    %get3A_2 = arith.constant 0 : index
    %get3A_3 = arith.constant 0 : index
    %get3A_4 = vector.load %arg2[%get3A_2, %get3A_3] : memref<1x128xf32, #tpu.memory_space<vmem>>, vector<1x1xf32>
    %get3A_5 = vector.extract %get3A_4[0, 0] : f32 from vector<1x1xf32>
    %sub3A = vector.broadcast %get3A_5 : f32 to vector<1x6400xf32>
    %sub3A_6 = arith.subf %get3A_1, %sub3A : vector<1x6400xf32>
    %exp3A = math.exp %sub3A_6 : vector<1x6400xf32>
    %get3A_7 = arith.constant 0 : index
    %get3A_8 = arith.constant 0 : index
    %get3A_9 = vector.load %arg3[%get3A_7, %get3A_8] : memref<1x128xf32, #tpu.memory_space<vmem>>, vector<1x1xf32>
    %get3A_10 = vector.extract %get3A_9[0, 0] : f32 from vector<1x1xf32>
    %mul3A = vector.broadcast %get3A_10 : f32 to vector<1x6400xf32>
    %mul3A_11 = arith.mulf %exp3A, %mul3A : vector<1x6400xf32>
    %swap3A = arith.constant 0 : index
    %swap3A_12 = arith.constant 0 : index
    %swap3A_13 = vector.load %arg5[%swap3A, %swap3A_12] : memref<1x6400xf32, #tpu.memory_space<vmem>>, vector<1x6400xf32>
    tpu.vector_store %arg5[%swap3A, %swap3A_12], %mul3A_11 {strides = array<i32>} : memref<1x6400xf32, #tpu.memory_space<vmem>>, vector<1x6400xf32>,
    %get3A_14 = arith.constant 0 : index
    %get3A_15 = arith.constant 0 : index
    %get3A_16 = vector.load %arg4[%get3A_14, %get3A_15] : memref<6400x512xf32, #tpu.memory_space<vmem>>, vector<6400x512xf32>
    %dot_general3A = arith.constant dense<0.000000e+00> : vector<1x512xf32>
    %dot_general3A_17 = tpu.matmul %mul3A_11, %get3A_16, %dot_general3A {dimension_numbers = #tpu.dot_dimension_numbers<[1], [0], [0], [1], [0, 0, 1, 1], [], []>, transpose_lhs_hint = false} : vector<1x6400xf32>, vector<6400x512xf32>, vector<1x512xf32> -> vector<1x512xf32>
    %eq3A = arith.constant 0 : i32
    %eq3A_18 = arith.cmpi eq, %arg0, %eq3A : i32
    %convert_element_type3A = arith.extui %eq3A_18 : i1 to i32
    %cond3A = arith.constant 0 : i32
    %cond3A_19 = arith.cmpi ne, %convert_element_type3A, %cond3A : i32
    scf.if %cond3A_19 {
      %broadcast_in_dim3A = arith.constant 0.000000e+00 : f32
      %broadcast_in_dim3A_26 = vector.broadcast %broadcast_in_dim3A : f32 to vector<1x512xf32>
      %swap3A_27 = arith.constant 0 : index
      %swap3A_28 = arith.constant 0 : index
      %swap3A_29 = vector.load %arg6[%swap3A_27, %swap3A_28] : memref<1x512xf32, #tpu.memory_space<vmem>>, vector<1x512xf32>
      tpu.vector_store %arg6[%swap3A_27, %swap3A_28], %broadcast_in_dim3A_26 {strides = array<i32>} : memref<1x512xf32, #tpu.memory_space<vmem>>, vector<1x512xf32>,
    } else {
    }
    %get3A_20 = arith.constant 0 : index
    %get3A_21 = arith.constant 0 : index
    %get3A_22 = vector.load %arg6[%get3A_20, %get3A_21] : memref<1x512xf32, #tpu.memory_space<vmem>>, vector<1x512xf32>
    %add3A = arith.addf %get3A_22, %dot_general3A_17 : vector<1x512xf32>
    %swap3A_23 = arith.constant 0 : index
    %swap3A_24 = arith.constant 0 : index
    %swap3A_25 = vector.load %arg6[%swap3A_23, %swap3A_24] : memref<1x512xf32, #tpu.memory_space<vmem>>, vector<1x512xf32>
    tpu.vector_store %arg6[%swap3A_23, %swap3A_24], %add3A {strides = array<i32>} : memref<1x512xf32, #tpu.memory_space<vmem>>, vector<1x512xf32>,
    return
  }
  func.func @transform_0(%arg0: i32) -> (i32, i32) {
    %c0_i32 = arith.constant 0 : i32
    %c0_i32_0 = arith.constant 0 : i32
    return %c0_i32, %arg0 : i32, i32
  }
  func.func @transform_1(%arg0: i32) -> (i32, i32) {
    %c0_i32 = arith.constant 0 : i32
    %c0_i32_0 = arith.constant 0 : i32
    %c0_i32_1 = arith.constant 0 : i32
    return %c0_i32, %c0_i32_0 : i32, i32
  }
  func.func @transform_2(%arg0: i32) -> (i32, i32) {
    %c0_i32 = arith.constant 0 : i32
    %c0_i32_0 = arith.constant 0 : i32
    %c0_i32_1 = arith.constant 0 : i32
    return %c0_i32, %c0_i32_0 : i32, i32
  }
  func.func @transform_3(%arg0: i32) -> (i32, i32) {
    %c0_i32 = arith.constant 0 : i32
    %c0_i32_0 = arith.constant 0 : i32
    return %arg0, %c0_i32 : i32, i32
  }
  func.func @transform_4(%arg0: i32) -> (i32, i32) {
    %c0_i32 = arith.constant 0 : i32
    %c0_i32_0 = arith.constant 0 : i32
    return %c0_i32, %arg0 : i32, i32
  }
  func.func @transform_5(%arg0: i32) -> (i32, i32) {
    %c0_i32 = arith.constant 0 : i32
    %c0_i32_0 = arith.constant 0 : i32
    %c0_i32_1 = arith.constant 0 : i32
    return %c0_i32, %c0_i32_0 : i32, i32
  }
}

module attributes {stable_mosaic.version = 14 : i64} {
  func.func @body(%arg0: i32, %arg1: memref<1x256xf32, #tpu.memory_space<vmem>>, %arg2: memref<1x256xf32, #tpu.memory_space<vmem>>, %arg3: memref<1x256xf32, #tpu.memory_space<vmem>>, %arg4: memref<1024x256xf32, #tpu.memory_space<vmem>>, %arg5: memref<1024x256xf32, #tpu.memory_space<vmem>>, %arg6: memref<1x1024xf32, #tpu.memory_space<vmem>>, %arg7: memref<1x1024xf32, #tpu.memory_space<vmem>>, %arg8: memref<256x256xf32, #tpu.memory_space<vmem>>, %arg9: memref<1x256xf32, #tpu.memory_space<vmem>>, %arg10: memref<1x256xf32, #tpu.memory_space<vmem>>, %arg11: memref<1x1xf32, #tpu.memory_space<vmem>>, %arg12: memref<16000x256xf32, #tpu.memory_space<vmem>>, %arg13: memref<1x16000xf32, #tpu.memory_space<vmem>>, %arg14: memref<1x128xf32, #tpu.memory_space<vmem>>, %arg15: memref<1x128xf32, #tpu.memory_space<vmem>>, %arg16: memref<1x256xf32, #tpu.memory_space<vmem>>, %arg17: memref<1x1xf32, #tpu.memory_space<vmem>>, %arg18: memref<1x1x256xf32, #tpu.memory_space<vmem>>, %arg19: memref<1x1x256xf32, #tpu.memory_space<vmem>>, %arg20: memref<1x256xf32, #tpu.memory_space<vmem>>, %arg21: memref<2xf32, #tpu.memory_space<smem>>) attributes {dimension_semantics = [#tpu.dimension_semantics<arbitrary>], iteration_bounds = array<i64: 10>, scalar_prefetch = 0 : i64, scratch_operands = 2 : i64, tpu.core_type = #tpu.core_type<tc>, window_params = [{pipeline_mode = #tpu.pipeline_mode<synchronous>, transform_indices = @transform_0, window_bounds = array<i64: 1, 256>}, {pipeline_mode = #tpu.pipeline_mode<synchronous>, transform_indices = @transform_1, window_bounds = array<i64: 1, 256>}, {pipeline_mode = #tpu.pipeline_mode<synchronous>, transform_indices = @transform_2, window_bounds = array<i64: 1, 256>}, {pipeline_mode = #tpu.pipeline_mode<synchronous>, transform_indices = @transform_3, window_bounds = array<i64: 1024, 256>}, {pipeline_mode = #tpu.pipeline_mode<synchronous>, transform_indices = @transform_4, window_bounds = array<i64: 1024, 256>}, {pipeline_mode = #tpu.pipeline_mode<synchronous>, transform_indices = @transform_5, window_bounds = array<i64: 1, 1024>}, {pipeline_mode = #tpu.pipeline_mode<synchronous>, transform_indices = @transform_6, window_bounds = array<i64: 1, 1024>}, {pipeline_mode = #tpu.pipeline_mode<synchronous>, transform_indices = @transform_7, window_bounds = array<i64: 256, 256>}, {pipeline_mode = #tpu.pipeline_mode<synchronous>, transform_indices = @transform_8, window_bounds = array<i64: 1, 256>}, {pipeline_mode = #tpu.pipeline_mode<synchronous>, transform_indices = @transform_9, window_bounds = array<i64: 1, 256>}, {pipeline_mode = #tpu.pipeline_mode<synchronous>, transform_indices = @transform_10, window_bounds = array<i64: 1, 1>}, {transform_indices = @transform_11, window_bounds = array<i64: 16000, 256>}, {transform_indices = @transform_12, window_bounds = array<i64: 1, 16000>}, {pipeline_mode = #tpu.pipeline_mode<synchronous>, transform_indices = @transform_13, window_bounds = array<i64: 1, 128>}, {pipeline_mode = #tpu.pipeline_mode<synchronous>, transform_indices = @transform_14, window_bounds = array<i64: 1, 128>}, {pipeline_mode = #tpu.pipeline_mode<synchronous>, transform_indices = @transform_15, window_bounds = array<i64: 1, 256>}, {pipeline_mode = #tpu.pipeline_mode<synchronous>, transform_indices = @transform_16, window_bounds = array<i64: 1, 1>}, {pipeline_mode = #tpu.pipeline_mode<synchronous>, transform_indices = @transform_17, window_bounds = array<i64: 1, 1, 256>}, {pipeline_mode = #tpu.pipeline_mode<synchronous>, transform_indices = @transform_18, window_bounds = array<i64: 1, 1, 256>}]} {
    %eq3A = arith.constant 0 : i32
    %eq3A_0 = arith.cmpi eq, %arg0, %eq3A : i32
    %convert_element_type3A = arith.extui %eq3A_0 : i1 to i32
    %cond3A = arith.constant 0 : i32
    %cond3A_1 = arith.cmpi ne, %convert_element_type3A, %cond3A : i32
    scf.if %cond3A_1 {
      %get3A_34 = arith.constant 0 : index
      %get3A_35 = arith.constant 0 : index
      %get3A_36 = vector.load %arg1[%get3A_34, %get3A_35] : memref<1x256xf32, #tpu.memory_space<vmem>>, vector<1x256xf32>
      %get3A_37 = arith.constant 0 : index
      %get3A_38 = arith.constant 0 : index
      %get3A_39 = vector.load %arg2[%get3A_37, %get3A_38] : memref<1x256xf32, #tpu.memory_space<vmem>>, vector<1x256xf32>
      %get3A_40 = arith.constant 0 : index
      %get3A_41 = arith.constant 0 : index
      %get3A_42 = vector.load %arg3[%get3A_40, %get3A_41] : memref<1x256xf32, #tpu.memory_space<vmem>>, vector<1x256xf32>
      %get3A_43 = arith.constant 0 : index
      %get3A_44 = arith.constant 0 : index
      %get3A_45 = vector.load %arg4[%get3A_43, %get3A_44] : memref<1024x256xf32, #tpu.memory_space<vmem>>, vector<1024x256xf32>
      %dot_general3A_46 = arith.constant dense<0.000000e+00> : vector<1x1024xf32>
      %dot_general3A_47 = tpu.matmul %get3A_36, %get3A_45, %dot_general3A_46 {dimension_numbers = #tpu.dot_dimension_numbers<[1], [1], [0], [0], [0, 0, 1, 0], [], []>, transpose_lhs_hint = false} : vector<1x256xf32>, vector<1024x256xf32>, vector<1x1024xf32> -> vector<1x1024xf32>
      %get3A_48 = arith.constant 0 : index
      %get3A_49 = arith.constant 0 : index
      %get3A_50 = vector.load %arg5[%get3A_48, %get3A_49] : memref<1024x256xf32, #tpu.memory_space<vmem>>, vector<1024x256xf32>
      %dot_general3A_51 = arith.constant dense<0.000000e+00> : vector<1x1024xf32>
      %dot_general3A_52 = tpu.matmul %get3A_39, %get3A_50, %dot_general3A_51 {dimension_numbers = #tpu.dot_dimension_numbers<[1], [1], [0], [0], [0, 0, 1, 0], [], []>, transpose_lhs_hint = false} : vector<1x256xf32>, vector<1024x256xf32>, vector<1x1024xf32> -> vector<1x1024xf32>
      %add3A_53 = arith.addf %dot_general3A_47, %dot_general3A_52 : vector<1x1024xf32>
      %get3A_54 = arith.constant 0 : index
      %get3A_55 = arith.constant 0 : index
      %get3A_56 = vector.load %arg6[%get3A_54, %get3A_55] : memref<1x1024xf32, #tpu.memory_space<vmem>>, vector<1x1024xf32>
      %add3A_57 = arith.addf %add3A_53, %get3A_56 : vector<1x1024xf32>
      %get3A_58 = arith.constant 0 : index
      %get3A_59 = arith.constant 0 : index
      %get3A_60 = vector.load %arg7[%get3A_58, %get3A_59] : memref<1x1024xf32, #tpu.memory_space<vmem>>, vector<1x1024xf32>
      %add3A_61 = arith.addf %add3A_57, %get3A_60 : vector<1x1024xf32>
      %slice3A = vector.extract_strided_slice %add3A_61 {offsets = [0, 0], sizes = [1, 256], strides = [1, 1]} : vector<1x1024xf32> to vector<1x256xf32>
      %logistic3A = arith.negf %slice3A : vector<1x256xf32>
      %logistic3A_62 = math.exp %logistic3A : vector<1x256xf32>
      %logistic3A_63 = arith.constant 1.000000e+00 : f32
      %logistic3A_64 = vector.broadcast %logistic3A_63 : f32 to vector<1x256xf32>
      %logistic3A_65 = arith.addf %logistic3A_64, %logistic3A_62 : vector<1x256xf32>
      %logistic3A_66 = arith.divf %logistic3A_64, %logistic3A_65 : vector<1x256xf32>
      %slice3A_67 = vector.extract_strided_slice %add3A_61 {offsets = [0, 256], sizes = [1, 256], strides = [1, 1]} : vector<1x1024xf32> to vector<1x256xf32>
      %logistic3A_68 = arith.negf %slice3A_67 : vector<1x256xf32>
      %logistic3A_69 = math.exp %logistic3A_68 : vector<1x256xf32>
      %logistic3A_70 = arith.constant 1.000000e+00 : f32
      %logistic3A_71 = vector.broadcast %logistic3A_70 : f32 to vector<1x256xf32>
      %logistic3A_72 = arith.addf %logistic3A_71, %logistic3A_69 : vector<1x256xf32>
      %logistic3A_73 = arith.divf %logistic3A_71, %logistic3A_72 : vector<1x256xf32>
      %slice3A_74 = vector.extract_strided_slice %add3A_61 {offsets = [0, 512], sizes = [1, 256], strides = [1, 1]} : vector<1x1024xf32> to vector<1x256xf32>
      %tanh3A = math.tanh %slice3A_74 : vector<1x256xf32>
      %slice3A_75 = vector.extract_strided_slice %add3A_61 {offsets = [0, 768], sizes = [1, 256], strides = [1, 1]} : vector<1x1024xf32> to vector<1x256xf32>
      %logistic3A_76 = arith.negf %slice3A_75 : vector<1x256xf32>
      %logistic3A_77 = math.exp %logistic3A_76 : vector<1x256xf32>
      %logistic3A_78 = arith.constant 1.000000e+00 : f32
      %logistic3A_79 = vector.broadcast %logistic3A_78 : f32 to vector<1x256xf32>
      %logistic3A_80 = arith.addf %logistic3A_79, %logistic3A_77 : vector<1x256xf32>
      %logistic3A_81 = arith.divf %logistic3A_79, %logistic3A_80 : vector<1x256xf32>
      %mul3A_82 = arith.mulf %logistic3A_73, %get3A_42 : vector<1x256xf32>
      %mul3A_83 = arith.mulf %logistic3A_66, %tanh3A : vector<1x256xf32>
      %add3A_84 = arith.addf %mul3A_82, %mul3A_83 : vector<1x256xf32>
      %tanh3A_85 = math.tanh %add3A_84 : vector<1x256xf32>
      %mul3A_86 = arith.mulf %logistic3A_81, %tanh3A_85 : vector<1x256xf32>
      %swap3A_87 = arith.constant 0 : index
      %swap3A_88 = arith.constant 0 : index
      %swap3A_89 = vector.load %arg16[%swap3A_87, %swap3A_88] : memref<1x256xf32, #tpu.memory_space<vmem>>, vector<1x256xf32>
      tpu.vector_store %arg16[%swap3A_87, %swap3A_88], %mul3A_86 {strides = array<i32>} : memref<1x256xf32, #tpu.memory_space<vmem>>, vector<1x256xf32>,
      %get3A_90 = arith.constant 0 : index
      %get3A_91 = arith.constant 0 : index
      %get3A_92 = vector.load %arg8[%get3A_90, %get3A_91] : memref<256x256xf32, #tpu.memory_space<vmem>>, vector<256x256xf32>
      %dot_general3A_93 = arith.constant dense<0.000000e+00> : vector<1x256xf32>
      %dot_general3A_94 = tpu.matmul %mul3A_86, %get3A_92, %dot_general3A_93 {dimension_numbers = #tpu.dot_dimension_numbers<[1], [1], [0], [0], [0, 0, 1, 0], [], []>, transpose_lhs_hint = false} : vector<1x256xf32>, vector<256x256xf32>, vector<1x256xf32> -> vector<1x256xf32>
      %swap3A_95 = arith.constant 0 : index
      %swap3A_96 = arith.constant 0 : index
      %swap3A_97 = vector.load %arg20[%swap3A_95, %swap3A_96] : memref<1x256xf32, #tpu.memory_space<vmem>>, vector<1x256xf32>
      tpu.vector_store %arg20[%swap3A_95, %swap3A_96], %dot_general3A_94 {strides = array<i32>} : memref<1x256xf32, #tpu.memory_space<vmem>>, vector<1x256xf32>,
      %get3A_98 = arith.constant 0 : index
      %get3A_99 = arith.constant 0 : index
      %get3A_100 = vector.load %arg9[%get3A_98, %get3A_99] : memref<1x256xf32, #tpu.memory_space<vmem>>, vector<1x256xf32>
      %mul3A_101 = arith.mulf %mul3A_86, %get3A_100 : vector<1x256xf32>
      %reduce_sum3A_102 = vector.shape_cast %mul3A_101 : vector<1x256xf32> to vector<1x1x256xf32>
      %reduce_sum3A_103 = arith.constant dense<0.000000e+00> : vector<1xf32>
      %reduce_sum3A_104 = vector.multi_reduction <add>, %reduce_sum3A_102, %reduce_sum3A_103 [1, 2] : vector<1x1x256xf32> to vector<1xf32>
      %reduce_sum3A_105 = vector.shape_cast %reduce_sum3A_104 : vector<1xf32> to vector<1x1x1xf32>
      %reduce_sum3A_106 = vector.extract %reduce_sum3A_105[0, 0, 0] : f32 from vector<1x1x1xf32>
      %get3A_107 = arith.constant 0 : index
      %get3A_108 = arith.constant 0 : index
      %get3A_109 = vector.load %arg10[%get3A_107, %get3A_108] : memref<1x256xf32, #tpu.memory_space<vmem>>, vector<1x256xf32>
      %mul3A_110 = arith.mulf %get3A_36, %get3A_109 : vector<1x256xf32>
      %reduce_sum3A_111 = vector.shape_cast %mul3A_110 : vector<1x256xf32> to vector<1x1x256xf32>
      %reduce_sum3A_112 = arith.constant dense<0.000000e+00> : vector<1xf32>
      %reduce_sum3A_113 = vector.multi_reduction <add>, %reduce_sum3A_111, %reduce_sum3A_112 [1, 2] : vector<1x1x256xf32> to vector<1xf32>
      %reduce_sum3A_114 = vector.shape_cast %reduce_sum3A_113 : vector<1xf32> to vector<1x1x1xf32>
      %reduce_sum3A_115 = vector.extract %reduce_sum3A_114[0, 0, 0] : f32 from vector<1x1x1xf32>
      %add3A_116 = arith.addf %reduce_sum3A_106, %reduce_sum3A_115 : f32
      %get3A_117 = arith.constant 0 : index
      %get3A_118 = arith.constant 0 : index
      %get3A_119 = vector.load %arg11[%get3A_117, %get3A_118] : memref<1x1xf32, #tpu.memory_space<vmem>>, vector<1x1xf32>
      %get3A_120 = vector.extract %get3A_119[0, 0] : f32 from vector<1x1xf32>
      %add3A_121 = arith.addf %add3A_116, %get3A_120 : f32
      %broadcast_in_dim3A = arith.constant 0.000000e+00 : f32
      %broadcast_in_dim3A_122 = vector.broadcast %broadcast_in_dim3A : f32 to vector<1x1xf32>
      %add3A_123 = vector.broadcast %add3A_121 : f32 to vector<1x1xf32>
      %add3A_124 = arith.addf %broadcast_in_dim3A_122, %add3A_123 : vector<1x1xf32>
      %swap3A_125 = arith.constant 0 : index
      %swap3A_126 = arith.constant 0 : index
      %swap3A_127 = vector.load %arg17[%swap3A_125, %swap3A_126] : memref<1x1xf32, #tpu.memory_space<vmem>>, vector<1x1xf32>
      tpu.vector_store %arg17[%swap3A_125, %swap3A_126], %add3A_124 {strides = array<i32>} : memref<1x1xf32, #tpu.memory_space<vmem>>, vector<1x1xf32>,
      %reshape3A = vector.shape_cast %mul3A_86 : vector<1x256xf32> to vector<1x1x256xf32>
      %swap3A_128 = arith.constant 0 : index
      %swap3A_129 = arith.constant 0 : index
      %swap3A_130 = arith.constant 0 : index
      %swap3A_131 = vector.load %arg18[%swap3A_128, %swap3A_129, %swap3A_130] : memref<1x1x256xf32, #tpu.memory_space<vmem>>, vector<1x1x256xf32>
      tpu.vector_store %arg18[%swap3A_128, %swap3A_129, %swap3A_130], %reshape3A {strides = array<i32>} : memref<1x1x256xf32, #tpu.memory_space<vmem>>, vector<1x1x256xf32>,
      %reshape3A_132 = vector.shape_cast %add3A_84 : vector<1x256xf32> to vector<1x1x256xf32>
      %swap3A_133 = arith.constant 0 : index
      %swap3A_134 = arith.constant 0 : index
      %swap3A_135 = arith.constant 0 : index
      %swap3A_136 = vector.load %arg19[%swap3A_133, %swap3A_134, %swap3A_135] : memref<1x1x256xf32, #tpu.memory_space<vmem>>, vector<1x1x256xf32>
      tpu.vector_store %arg19[%swap3A_133, %swap3A_134, %swap3A_135], %reshape3A_132 {strides = array<i32>} : memref<1x1x256xf32, #tpu.memory_space<vmem>>, vector<1x1x256xf32>,
      %swap3A_137 = arith.constant 0xFF800000 : f32
      %swap3A_138 = arith.constant 0 : index
      %swap3A_139 = memref.load %arg21[%swap3A_138] : memref<2xf32, #tpu.memory_space<smem>>
      memref.store %swap3A_137, %arg21[%swap3A_138] : memref<2xf32, #tpu.memory_space<smem>>
      %swap3A_140 = arith.constant 0.000000e+00 : f32
      %swap3A_141 = arith.constant 1 : index
      %swap3A_142 = memref.load %arg21[%swap3A_141] : memref<2xf32, #tpu.memory_space<smem>>
      memref.store %swap3A_140, %arg21[%swap3A_141] : memref<2xf32, #tpu.memory_space<smem>>
    } else {
    }
    %get3A = arith.constant 0 : index
    %get3A_2 = arith.constant 0 : index
    %get3A_3 = vector.load %arg20[%get3A, %get3A_2] : memref<1x256xf32, #tpu.memory_space<vmem>>, vector<1x256xf32>
    %get3A_4 = arith.constant 0 : index
    %get3A_5 = arith.constant 0 : index
    %get3A_6 = vector.load %arg12[%get3A_4, %get3A_5] : memref<16000x256xf32, #tpu.memory_space<vmem>>, vector<16000x256xf32>
    %dot_general3A = arith.constant dense<0.000000e+00> : vector<1x16000xf32>
    %dot_general3A_7 = tpu.matmul %get3A_3, %get3A_6, %dot_general3A {dimension_numbers = #tpu.dot_dimension_numbers<[1], [1], [0], [0], [0, 0, 1, 0], [], []>, transpose_lhs_hint = false} : vector<1x256xf32>, vector<16000x256xf32>, vector<1x16000xf32> -> vector<1x16000xf32>
    %swap3A = arith.constant 0 : index
    %swap3A_8 = arith.constant 0 : index
    %swap3A_9 = vector.load %arg13[%swap3A, %swap3A_8] : memref<1x16000xf32, #tpu.memory_space<vmem>>, vector<1x16000xf32>
    tpu.vector_store %arg13[%swap3A, %swap3A_8], %dot_general3A_7 {strides = array<i32>} : memref<1x16000xf32, #tpu.memory_space<vmem>>, vector<1x16000xf32>,
    %get3A_10 = arith.constant 0 : index
    %get3A_11 = memref.load %arg21[%get3A_10] : memref<2xf32, #tpu.memory_space<smem>>
    %get3A_12 = arith.constant 1 : index
    %get3A_13 = memref.load %arg21[%get3A_12] : memref<2xf32, #tpu.memory_space<smem>>
    %reduce_max3A = vector.shape_cast %dot_general3A_7 : vector<1x16000xf32> to vector<1x1x16000xf32>
    %reduce_max3A_14 = arith.constant dense<0xFF800000> : vector<1xf32>
    %reduce_max3A_15 = vector.multi_reduction <maximumf>, %reduce_max3A, %reduce_max3A_14 [1, 2] : vector<1x1x16000xf32> to vector<1xf32>
    %reduce_max3A_16 = vector.shape_cast %reduce_max3A_15 : vector<1xf32> to vector<1x1x1xf32>
    %reduce_max3A_17 = vector.extract %reduce_max3A_16[0, 0, 0] : f32 from vector<1x1x1xf32>
    %max3A = arith.maximumf %get3A_11, %reduce_max3A_17 : f32
    %sub3A = arith.subf %get3A_11, %max3A : f32
    %exp3A = math.exp %sub3A : f32
    %mul3A = arith.mulf %get3A_13, %exp3A : f32
    %sub3A_18 = vector.broadcast %max3A : f32 to vector<1x16000xf32>
    %sub3A_19 = arith.subf %dot_general3A_7, %sub3A_18 : vector<1x16000xf32>
    %exp3A_20 = math.exp %sub3A_19 : vector<1x16000xf32>
    %reduce_sum3A = vector.shape_cast %exp3A_20 : vector<1x16000xf32> to vector<1x1x16000xf32>
    %reduce_sum3A_21 = arith.constant dense<0.000000e+00> : vector<1xf32>
    %reduce_sum3A_22 = vector.multi_reduction <add>, %reduce_sum3A, %reduce_sum3A_21 [1, 2] : vector<1x1x16000xf32> to vector<1xf32>
    %reduce_sum3A_23 = vector.shape_cast %reduce_sum3A_22 : vector<1xf32> to vector<1x1x1xf32>
    %reduce_sum3A_24 = vector.extract %reduce_sum3A_23[0, 0, 0] : f32 from vector<1x1x1xf32>
    %add3A = arith.addf %mul3A, %reduce_sum3A_24 : f32
    %swap3A_25 = arith.constant 0 : index
    %swap3A_26 = memref.load %arg21[%swap3A_25] : memref<2xf32, #tpu.memory_space<smem>>
    memref.store %max3A, %arg21[%swap3A_25] : memref<2xf32, #tpu.memory_space<smem>>
    %swap3A_27 = arith.constant 1 : index
    %swap3A_28 = memref.load %arg21[%swap3A_27] : memref<2xf32, #tpu.memory_space<smem>>
    memref.store %add3A, %arg21[%swap3A_27] : memref<2xf32, #tpu.memory_space<smem>>
    %eq3A_29 = arith.constant 9 : i32
    %eq3A_30 = arith.cmpi eq, %arg0, %eq3A_29 : i32
    %convert_element_type3A_31 = arith.extui %eq3A_30 : i1 to i32
    %cond3A_32 = arith.constant 0 : i32
    %cond3A_33 = arith.cmpi ne, %convert_element_type3A_31, %cond3A_32 : i32
    scf.if %cond3A_33 {
      %broadcast_in_dim3A = vector.broadcast %max3A : f32 to vector<1x128xf32>
      %swap3A_34 = arith.constant 0 : index
      %swap3A_35 = arith.constant 0 : index
      %swap3A_36 = vector.load %arg14[%swap3A_34, %swap3A_35] : memref<1x128xf32, #tpu.memory_space<vmem>>, vector<1x128xf32>
      tpu.vector_store %arg14[%swap3A_34, %swap3A_35], %broadcast_in_dim3A {strides = array<i32>} : memref<1x128xf32, #tpu.memory_space<vmem>>, vector<1x128xf32>,
      %div3A = arith.constant 1.000000e+00 : f32
      %div3A_37 = arith.divf %div3A, %add3A : f32
      %broadcast_in_dim3A_38 = vector.broadcast %div3A_37 : f32 to vector<1x128xf32>
      %swap3A_39 = arith.constant 0 : index
      %swap3A_40 = arith.constant 0 : index
      %swap3A_41 = vector.load %arg15[%swap3A_39, %swap3A_40] : memref<1x128xf32, #tpu.memory_space<vmem>>, vector<1x128xf32>
      tpu.vector_store %arg15[%swap3A_39, %swap3A_40], %broadcast_in_dim3A_38 {strides = array<i32>} : memref<1x128xf32, #tpu.memory_space<vmem>>, vector<1x128xf32>,
    } else {
    }
    return
  }
  func.func @transform_0(%arg0: i32) -> (i32, i32) {
    %c0_i32 = arith.constant 0 : i32
    %c0_i32_0 = arith.constant 0 : i32
    %c0_i32_1 = arith.constant 0 : i32
    return %c0_i32, %c0_i32_0 : i32, i32
  }
  func.func @transform_1(%arg0: i32) -> (i32, i32) {
    %c0_i32 = arith.constant 0 : i32
    %c0_i32_0 = arith.constant 0 : i32
    %c0_i32_1 = arith.constant 0 : i32
    return %c0_i32, %c0_i32_0 : i32, i32
  }
  func.func @transform_2(%arg0: i32) -> (i32, i32) {
    %c0_i32 = arith.constant 0 : i32
    %c0_i32_0 = arith.constant 0 : i32
    %c0_i32_1 = arith.constant 0 : i32
    return %c0_i32, %c0_i32_0 : i32, i32
  }
  func.func @transform_3(%arg0: i32) -> (i32, i32) {
    %c0_i32 = arith.constant 0 : i32
    %c0_i32_0 = arith.constant 0 : i32
    %c0_i32_1 = arith.constant 0 : i32
    return %c0_i32, %c0_i32_0 : i32, i32
  }
  func.func @transform_4(%arg0: i32) -> (i32, i32) {
    %c0_i32 = arith.constant 0 : i32
    %c0_i32_0 = arith.constant 0 : i32
    %c0_i32_1 = arith.constant 0 : i32
    return %c0_i32, %c0_i32_0 : i32, i32
  }
  func.func @transform_5(%arg0: i32) -> (i32, i32) {
    %c0_i32 = arith.constant 0 : i32
    %c0_i32_0 = arith.constant 0 : i32
    %c0_i32_1 = arith.constant 0 : i32
    return %c0_i32, %c0_i32_0 : i32, i32
  }
  func.func @transform_6(%arg0: i32) -> (i32, i32) {
    %c0_i32 = arith.constant 0 : i32
    %c0_i32_0 = arith.constant 0 : i32
    %c0_i32_1 = arith.constant 0 : i32
    return %c0_i32, %c0_i32_0 : i32, i32
  }
  func.func @transform_7(%arg0: i32) -> (i32, i32) {
    %c0_i32 = arith.constant 0 : i32
    %c0_i32_0 = arith.constant 0 : i32
    %c0_i32_1 = arith.constant 0 : i32
    return %c0_i32, %c0_i32_0 : i32, i32
  }
  func.func @transform_8(%arg0: i32) -> (i32, i32) {
    %c0_i32 = arith.constant 0 : i32
    %c0_i32_0 = arith.constant 0 : i32
    %c0_i32_1 = arith.constant 0 : i32
    return %c0_i32, %c0_i32_0 : i32, i32
  }
  func.func @transform_9(%arg0: i32) -> (i32, i32) {
    %c0_i32 = arith.constant 0 : i32
    %c0_i32_0 = arith.constant 0 : i32
    %c0_i32_1 = arith.constant 0 : i32
    return %c0_i32, %c0_i32_0 : i32, i32
  }
  func.func @transform_10(%arg0: i32) -> (i32, i32) {
    %c0_i32 = arith.constant 0 : i32
    %c0_i32_0 = arith.constant 0 : i32
    %c0_i32_1 = arith.constant 0 : i32
    return %c0_i32, %c0_i32_0 : i32, i32
  }
  func.func @transform_11(%arg0: i32) -> (i32, i32) {
    %c0_i32 = arith.constant 0 : i32
    %c0_i32_0 = arith.constant 0 : i32
    return %arg0, %c0_i32 : i32, i32
  }
  func.func @transform_12(%arg0: i32) -> (i32, i32) {
    %c0_i32 = arith.constant 0 : i32
    %c0_i32_0 = arith.constant 0 : i32
    return %c0_i32, %arg0 : i32, i32
  }
  func.func @transform_13(%arg0: i32) -> (i32, i32) {
    %c0_i32 = arith.constant 0 : i32
    %c0_i32_0 = arith.constant 0 : i32
    %c0_i32_1 = arith.constant 0 : i32
    return %c0_i32, %c0_i32_0 : i32, i32
  }
  func.func @transform_14(%arg0: i32) -> (i32, i32) {
    %c0_i32 = arith.constant 0 : i32
    %c0_i32_0 = arith.constant 0 : i32
    %c0_i32_1 = arith.constant 0 : i32
    return %c0_i32, %c0_i32_0 : i32, i32
  }
  func.func @transform_15(%arg0: i32) -> (i32, i32) {
    %c0_i32 = arith.constant 0 : i32
    %c0_i32_0 = arith.constant 0 : i32
    %c0_i32_1 = arith.constant 0 : i32
    return %c0_i32, %c0_i32_0 : i32, i32
  }
  func.func @transform_16(%arg0: i32) -> (i32, i32) {
    %c0_i32 = arith.constant 0 : i32
    %c0_i32_0 = arith.constant 0 : i32
    %c0_i32_1 = arith.constant 0 : i32
    return %c0_i32, %c0_i32_0 : i32, i32
  }
  func.func @transform_17(%arg0: i32) -> (i32, i32, i32) {
    %c0_i32 = arith.constant 0 : i32
    %c0_i32_0 = arith.constant 0 : i32
    %c0_i32_1 = arith.constant 0 : i32
    %c0_i32_2 = arith.constant 0 : i32
    return %c0_i32, %c0_i32_0, %c0_i32_1 : i32, i32, i32
  }
  func.func @transform_18(%arg0: i32) -> (i32, i32, i32) {
    %c0_i32 = arith.constant 0 : i32
    %c0_i32_0 = arith.constant 0 : i32
    %c0_i32_1 = arith.constant 0 : i32
    %c0_i32_2 = arith.constant 0 : i32
    return %c0_i32, %c0_i32_0, %c0_i32_1 : i32, i32, i32
  }
}

module attributes {stable_mosaic.version = 14 : i64} {
  func.func @body(%arg0: memref<323584xf32, #tpu.memory_space<vmem>>, %arg1: memref<323584xf32, #tpu.memory_space<vmem>>, %arg2: memref<10000x256xf32, #tpu.memory_space<vmem>>, %arg3: memref<256x256xf32, #tpu.memory_space<vmem>>, %arg4: memref<1x256xf32, #tpu.memory_space<vmem>>, %arg5: memref<1x256xf32, #tpu.memory_space<vmem>>, %arg6: memref<1x1xf32, #tpu.memory_space<vmem>>, %arg7: memref<1x512xf32, #tpu.memory_space<vmem>>, %arg8: memref<256x512xf32, #tpu.memory_space<vmem>>, %arg9: memref<1x256xf32, #tpu.memory_space<vmem>>, %arg10: memref<10000x256xf32, #tpu.memory_space<vmem>>, %arg11: memref<1x10000xf32, #tpu.memory_space<vmem>>, %arg12: memref<1x256xf32, #tpu.memory_space<vmem>>, %arg13: memref<1x10000xf32, #tpu.memory_space<vmem>>, %arg14: memref<1x512xf32, #tpu.memory_space<vmem>>) attributes {dimension_semantics = [], scalar_prefetch = 0 : i64, scratch_operands = 0 : i64, tpu.core_type = #tpu.core_type<tc>} {
    %get3A = arith.constant 0 : index
    %get3A_0 = vector.load %arg0[%get3A] : memref<323584xf32, #tpu.memory_space<vmem>>, vector<10112xf32>
    %get3A_1 = arith.constant 0 : index
    %get3A_2 = vector.load %arg1[%get3A_1] : memref<323584xf32, #tpu.memory_space<vmem>>, vector<10112xf32>
    %get3A_3 = arith.constant 10112 : index
    %get3A_4 = vector.load %arg0[%get3A_3] : memref<323584xf32, #tpu.memory_space<vmem>>, vector<10112xf32>
    %add3A = arith.addf %get3A_0, %get3A_4 : vector<10112xf32>
    %get3A_5 = arith.constant 10112 : index
    %get3A_6 = vector.load %arg1[%get3A_5] : memref<323584xf32, #tpu.memory_space<vmem>>, vector<10112xf32>
    %add3A_7 = arith.addf %get3A_2, %get3A_6 : vector<10112xf32>
    %get3A_8 = arith.constant 20224 : index
    %get3A_9 = vector.load %arg0[%get3A_8] : memref<323584xf32, #tpu.memory_space<vmem>>, vector<10112xf32>
    %add3A_10 = arith.addf %add3A, %get3A_9 : vector<10112xf32>
    %get3A_11 = arith.constant 20224 : index
    %get3A_12 = vector.load %arg1[%get3A_11] : memref<323584xf32, #tpu.memory_space<vmem>>, vector<10112xf32>
    %add3A_13 = arith.addf %add3A_7, %get3A_12 : vector<10112xf32>
    %get3A_14 = arith.constant 30336 : index
    %get3A_15 = vector.load %arg0[%get3A_14] : memref<323584xf32, #tpu.memory_space<vmem>>, vector<10112xf32>
    %add3A_16 = arith.addf %add3A_10, %get3A_15 : vector<10112xf32>
    %get3A_17 = arith.constant 30336 : index
    %get3A_18 = vector.load %arg1[%get3A_17] : memref<323584xf32, #tpu.memory_space<vmem>>, vector<10112xf32>
    %add3A_19 = arith.addf %add3A_13, %get3A_18 : vector<10112xf32>
    %get3A_20 = arith.constant 40448 : index
    %get3A_21 = vector.load %arg0[%get3A_20] : memref<323584xf32, #tpu.memory_space<vmem>>, vector<10112xf32>
    %add3A_22 = arith.addf %add3A_16, %get3A_21 : vector<10112xf32>
    %get3A_23 = arith.constant 40448 : index
    %get3A_24 = vector.load %arg1[%get3A_23] : memref<323584xf32, #tpu.memory_space<vmem>>, vector<10112xf32>
    %add3A_25 = arith.addf %add3A_19, %get3A_24 : vector<10112xf32>
    %get3A_26 = arith.constant 50560 : index
    %get3A_27 = vector.load %arg0[%get3A_26] : memref<323584xf32, #tpu.memory_space<vmem>>, vector<10112xf32>
    %add3A_28 = arith.addf %add3A_22, %get3A_27 : vector<10112xf32>
    %get3A_29 = arith.constant 50560 : index
    %get3A_30 = vector.load %arg1[%get3A_29] : memref<323584xf32, #tpu.memory_space<vmem>>, vector<10112xf32>
    %add3A_31 = arith.addf %add3A_25, %get3A_30 : vector<10112xf32>
    %get3A_32 = arith.constant 60672 : index
    %get3A_33 = vector.load %arg0[%get3A_32] : memref<323584xf32, #tpu.memory_space<vmem>>, vector<10112xf32>
    %add3A_34 = arith.addf %add3A_28, %get3A_33 : vector<10112xf32>
    %get3A_35 = arith.constant 60672 : index
    %get3A_36 = vector.load %arg1[%get3A_35] : memref<323584xf32, #tpu.memory_space<vmem>>, vector<10112xf32>
    %add3A_37 = arith.addf %add3A_31, %get3A_36 : vector<10112xf32>
    %get3A_38 = arith.constant 70784 : index
    %get3A_39 = vector.load %arg0[%get3A_38] : memref<323584xf32, #tpu.memory_space<vmem>>, vector<10112xf32>
    %add3A_40 = arith.addf %add3A_34, %get3A_39 : vector<10112xf32>
    %get3A_41 = arith.constant 70784 : index
    %get3A_42 = vector.load %arg1[%get3A_41] : memref<323584xf32, #tpu.memory_space<vmem>>, vector<10112xf32>
    %add3A_43 = arith.addf %add3A_37, %get3A_42 : vector<10112xf32>
    %get3A_44 = arith.constant 80896 : index
    %get3A_45 = vector.load %arg0[%get3A_44] : memref<323584xf32, #tpu.memory_space<vmem>>, vector<10112xf32>
    %add3A_46 = arith.addf %add3A_40, %get3A_45 : vector<10112xf32>
    %get3A_47 = arith.constant 80896 : index
    %get3A_48 = vector.load %arg1[%get3A_47] : memref<323584xf32, #tpu.memory_space<vmem>>, vector<10112xf32>
    %add3A_49 = arith.addf %add3A_43, %get3A_48 : vector<10112xf32>
    %get3A_50 = arith.constant 91008 : index
    %get3A_51 = vector.load %arg0[%get3A_50] : memref<323584xf32, #tpu.memory_space<vmem>>, vector<10112xf32>
    %add3A_52 = arith.addf %add3A_46, %get3A_51 : vector<10112xf32>
    %get3A_53 = arith.constant 91008 : index
    %get3A_54 = vector.load %arg1[%get3A_53] : memref<323584xf32, #tpu.memory_space<vmem>>, vector<10112xf32>
    %add3A_55 = arith.addf %add3A_49, %get3A_54 : vector<10112xf32>
    %get3A_56 = arith.constant 101120 : index
    %get3A_57 = vector.load %arg0[%get3A_56] : memref<323584xf32, #tpu.memory_space<vmem>>, vector<10112xf32>
    %add3A_58 = arith.addf %add3A_52, %get3A_57 : vector<10112xf32>
    %get3A_59 = arith.constant 101120 : index
    %get3A_60 = vector.load %arg1[%get3A_59] : memref<323584xf32, #tpu.memory_space<vmem>>, vector<10112xf32>
    %add3A_61 = arith.addf %add3A_55, %get3A_60 : vector<10112xf32>
    %get3A_62 = arith.constant 111232 : index
    %get3A_63 = vector.load %arg0[%get3A_62] : memref<323584xf32, #tpu.memory_space<vmem>>, vector<10112xf32>
    %add3A_64 = arith.addf %add3A_58, %get3A_63 : vector<10112xf32>
    %get3A_65 = arith.constant 111232 : index
    %get3A_66 = vector.load %arg1[%get3A_65] : memref<323584xf32, #tpu.memory_space<vmem>>, vector<10112xf32>
    %add3A_67 = arith.addf %add3A_61, %get3A_66 : vector<10112xf32>
    %get3A_68 = arith.constant 121344 : index
    %get3A_69 = vector.load %arg0[%get3A_68] : memref<323584xf32, #tpu.memory_space<vmem>>, vector<10112xf32>
    %add3A_70 = arith.addf %add3A_64, %get3A_69 : vector<10112xf32>
    %get3A_71 = arith.constant 121344 : index
    %get3A_72 = vector.load %arg1[%get3A_71] : memref<323584xf32, #tpu.memory_space<vmem>>, vector<10112xf32>
    %add3A_73 = arith.addf %add3A_67, %get3A_72 : vector<10112xf32>
    %get3A_74 = arith.constant 131456 : index
    %get3A_75 = vector.load %arg0[%get3A_74] : memref<323584xf32, #tpu.memory_space<vmem>>, vector<10112xf32>
    %add3A_76 = arith.addf %add3A_70, %get3A_75 : vector<10112xf32>
    %get3A_77 = arith.constant 131456 : index
    %get3A_78 = vector.load %arg1[%get3A_77] : memref<323584xf32, #tpu.memory_space<vmem>>, vector<10112xf32>
    %add3A_79 = arith.addf %add3A_73, %get3A_78 : vector<10112xf32>
    %get3A_80 = arith.constant 141568 : index
    %get3A_81 = vector.load %arg0[%get3A_80] : memref<323584xf32, #tpu.memory_space<vmem>>, vector<10112xf32>
    %add3A_82 = arith.addf %add3A_76, %get3A_81 : vector<10112xf32>
    %get3A_83 = arith.constant 141568 : index
    %get3A_84 = vector.load %arg1[%get3A_83] : memref<323584xf32, #tpu.memory_space<vmem>>, vector<10112xf32>
    %add3A_85 = arith.addf %add3A_79, %get3A_84 : vector<10112xf32>
    %get3A_86 = arith.constant 151680 : index
    %get3A_87 = vector.load %arg0[%get3A_86] : memref<323584xf32, #tpu.memory_space<vmem>>, vector<10112xf32>
    %add3A_88 = arith.addf %add3A_82, %get3A_87 : vector<10112xf32>
    %get3A_89 = arith.constant 151680 : index
    %get3A_90 = vector.load %arg1[%get3A_89] : memref<323584xf32, #tpu.memory_space<vmem>>, vector<10112xf32>
    %add3A_91 = arith.addf %add3A_85, %get3A_90 : vector<10112xf32>
    %get3A_92 = arith.constant 161792 : index
    %get3A_93 = vector.load %arg0[%get3A_92] : memref<323584xf32, #tpu.memory_space<vmem>>, vector<10112xf32>
    %add3A_94 = arith.addf %add3A_88, %get3A_93 : vector<10112xf32>
    %get3A_95 = arith.constant 161792 : index
    %get3A_96 = vector.load %arg1[%get3A_95] : memref<323584xf32, #tpu.memory_space<vmem>>, vector<10112xf32>
    %add3A_97 = arith.addf %add3A_91, %get3A_96 : vector<10112xf32>
    %get3A_98 = arith.constant 171904 : index
    %get3A_99 = vector.load %arg0[%get3A_98] : memref<323584xf32, #tpu.memory_space<vmem>>, vector<10112xf32>
    %add3A_100 = arith.addf %add3A_94, %get3A_99 : vector<10112xf32>
    %get3A_101 = arith.constant 171904 : index
    %get3A_102 = vector.load %arg1[%get3A_101] : memref<323584xf32, #tpu.memory_space<vmem>>, vector<10112xf32>
    %add3A_103 = arith.addf %add3A_97, %get3A_102 : vector<10112xf32>
    %get3A_104 = arith.constant 182016 : index
    %get3A_105 = vector.load %arg0[%get3A_104] : memref<323584xf32, #tpu.memory_space<vmem>>, vector<10112xf32>
    %add3A_106 = arith.addf %add3A_100, %get3A_105 : vector<10112xf32>
    %get3A_107 = arith.constant 182016 : index
    %get3A_108 = vector.load %arg1[%get3A_107] : memref<323584xf32, #tpu.memory_space<vmem>>, vector<10112xf32>
    %add3A_109 = arith.addf %add3A_103, %get3A_108 : vector<10112xf32>
    %get3A_110 = arith.constant 192128 : index
    %get3A_111 = vector.load %arg0[%get3A_110] : memref<323584xf32, #tpu.memory_space<vmem>>, vector<10112xf32>
    %add3A_112 = arith.addf %add3A_106, %get3A_111 : vector<10112xf32>
    %get3A_113 = arith.constant 192128 : index
    %get3A_114 = vector.load %arg1[%get3A_113] : memref<323584xf32, #tpu.memory_space<vmem>>, vector<10112xf32>
    %add3A_115 = arith.addf %add3A_109, %get3A_114 : vector<10112xf32>
    %get3A_116 = arith.constant 202240 : index
    %get3A_117 = vector.load %arg0[%get3A_116] : memref<323584xf32, #tpu.memory_space<vmem>>, vector<10112xf32>
    %add3A_118 = arith.addf %add3A_112, %get3A_117 : vector<10112xf32>
    %get3A_119 = arith.constant 202240 : index
    %get3A_120 = vector.load %arg1[%get3A_119] : memref<323584xf32, #tpu.memory_space<vmem>>, vector<10112xf32>
    %add3A_121 = arith.addf %add3A_115, %get3A_120 : vector<10112xf32>
    %get3A_122 = arith.constant 212352 : index
    %get3A_123 = vector.load %arg0[%get3A_122] : memref<323584xf32, #tpu.memory_space<vmem>>, vector<10112xf32>
    %add3A_124 = arith.addf %add3A_118, %get3A_123 : vector<10112xf32>
    %get3A_125 = arith.constant 212352 : index
    %get3A_126 = vector.load %arg1[%get3A_125] : memref<323584xf32, #tpu.memory_space<vmem>>, vector<10112xf32>
    %add3A_127 = arith.addf %add3A_121, %get3A_126 : vector<10112xf32>
    %get3A_128 = arith.constant 222464 : index
    %get3A_129 = vector.load %arg0[%get3A_128] : memref<323584xf32, #tpu.memory_space<vmem>>, vector<10112xf32>
    %add3A_130 = arith.addf %add3A_124, %get3A_129 : vector<10112xf32>
    %get3A_131 = arith.constant 222464 : index
    %get3A_132 = vector.load %arg1[%get3A_131] : memref<323584xf32, #tpu.memory_space<vmem>>, vector<10112xf32>
    %add3A_133 = arith.addf %add3A_127, %get3A_132 : vector<10112xf32>
    %get3A_134 = arith.constant 232576 : index
    %get3A_135 = vector.load %arg0[%get3A_134] : memref<323584xf32, #tpu.memory_space<vmem>>, vector<10112xf32>
    %add3A_136 = arith.addf %add3A_130, %get3A_135 : vector<10112xf32>
    %get3A_137 = arith.constant 232576 : index
    %get3A_138 = vector.load %arg1[%get3A_137] : memref<323584xf32, #tpu.memory_space<vmem>>, vector<10112xf32>
    %add3A_139 = arith.addf %add3A_133, %get3A_138 : vector<10112xf32>
    %get3A_140 = arith.constant 242688 : index
    %get3A_141 = vector.load %arg0[%get3A_140] : memref<323584xf32, #tpu.memory_space<vmem>>, vector<10112xf32>
    %add3A_142 = arith.addf %add3A_136, %get3A_141 : vector<10112xf32>
    %get3A_143 = arith.constant 242688 : index
    %get3A_144 = vector.load %arg1[%get3A_143] : memref<323584xf32, #tpu.memory_space<vmem>>, vector<10112xf32>
    %add3A_145 = arith.addf %add3A_139, %get3A_144 : vector<10112xf32>
    %get3A_146 = arith.constant 252800 : index
    %get3A_147 = vector.load %arg0[%get3A_146] : memref<323584xf32, #tpu.memory_space<vmem>>, vector<10112xf32>
    %add3A_148 = arith.addf %add3A_142, %get3A_147 : vector<10112xf32>
    %get3A_149 = arith.constant 252800 : index
    %get3A_150 = vector.load %arg1[%get3A_149] : memref<323584xf32, #tpu.memory_space<vmem>>, vector<10112xf32>
    %add3A_151 = arith.addf %add3A_145, %get3A_150 : vector<10112xf32>
    %get3A_152 = arith.constant 262912 : index
    %get3A_153 = vector.load %arg0[%get3A_152] : memref<323584xf32, #tpu.memory_space<vmem>>, vector<10112xf32>
    %add3A_154 = arith.addf %add3A_148, %get3A_153 : vector<10112xf32>
    %get3A_155 = arith.constant 262912 : index
    %get3A_156 = vector.load %arg1[%get3A_155] : memref<323584xf32, #tpu.memory_space<vmem>>, vector<10112xf32>
    %add3A_157 = arith.addf %add3A_151, %get3A_156 : vector<10112xf32>
    %get3A_158 = arith.constant 273024 : index
    %get3A_159 = vector.load %arg0[%get3A_158] : memref<323584xf32, #tpu.memory_space<vmem>>, vector<10112xf32>
    %add3A_160 = arith.addf %add3A_154, %get3A_159 : vector<10112xf32>
    %get3A_161 = arith.constant 273024 : index
    %get3A_162 = vector.load %arg1[%get3A_161] : memref<323584xf32, #tpu.memory_space<vmem>>, vector<10112xf32>
    %add3A_163 = arith.addf %add3A_157, %get3A_162 : vector<10112xf32>
    %get3A_164 = arith.constant 283136 : index
    %get3A_165 = vector.load %arg0[%get3A_164] : memref<323584xf32, #tpu.memory_space<vmem>>, vector<10112xf32>
    %add3A_166 = arith.addf %add3A_160, %get3A_165 : vector<10112xf32>
    %get3A_167 = arith.constant 283136 : index
    %get3A_168 = vector.load %arg1[%get3A_167] : memref<323584xf32, #tpu.memory_space<vmem>>, vector<10112xf32>
    %add3A_169 = arith.addf %add3A_163, %get3A_168 : vector<10112xf32>
    %get3A_170 = arith.constant 293248 : index
    %get3A_171 = vector.load %arg0[%get3A_170] : memref<323584xf32, #tpu.memory_space<vmem>>, vector<10112xf32>
    %add3A_172 = arith.addf %add3A_166, %get3A_171 : vector<10112xf32>
    %get3A_173 = arith.constant 293248 : index
    %get3A_174 = vector.load %arg1[%get3A_173] : memref<323584xf32, #tpu.memory_space<vmem>>, vector<10112xf32>
    %add3A_175 = arith.addf %add3A_169, %get3A_174 : vector<10112xf32>
    %get3A_176 = arith.constant 303360 : index
    %get3A_177 = vector.load %arg0[%get3A_176] : memref<323584xf32, #tpu.memory_space<vmem>>, vector<10112xf32>
    %add3A_178 = arith.addf %add3A_172, %get3A_177 : vector<10112xf32>
    %get3A_179 = arith.constant 303360 : index
    %get3A_180 = vector.load %arg1[%get3A_179] : memref<323584xf32, #tpu.memory_space<vmem>>, vector<10112xf32>
    %add3A_181 = arith.addf %add3A_175, %get3A_180 : vector<10112xf32>
    %get3A_182 = arith.constant 313472 : index
    %get3A_183 = vector.load %arg0[%get3A_182] : memref<323584xf32, #tpu.memory_space<vmem>>, vector<10112xf32>
    %add3A_184 = arith.addf %add3A_178, %get3A_183 : vector<10112xf32>
    %get3A_185 = arith.constant 313472 : index
    %get3A_186 = vector.load %arg1[%get3A_185] : memref<323584xf32, #tpu.memory_space<vmem>>, vector<10112xf32>
    %add3A_187 = arith.addf %add3A_181, %get3A_186 : vector<10112xf32>
    %reshape3A = vector.shape_cast %add3A_184 : vector<10112xf32> to vector<1x10112xf32>
    %add3A_188 = arith.constant 1.000000e+00 : f32
    %add3A_189 = vector.broadcast %add3A_188 : f32 to vector<1x10112xf32>
    %add3A_190 = arith.addf %reshape3A, %add3A_189 : vector<1x10112xf32>
    %rsqrt3A = math.rsqrt %add3A_190 : vector<1x10112xf32>
    %reshape3A_191 = vector.shape_cast %add3A_187 : vector<10112xf32> to vector<1x10112xf32>
    %mul3A = arith.mulf %rsqrt3A, %reshape3A_191 : vector<1x10112xf32>
    %iota3A = tpu.iota {dimensions = array<i32: 1>} : vector<1x10112xi32>
    %eq3A = arith.constant 0 : i32
    %eq3A_192 = vector.broadcast %eq3A : i32 to vector<1x10112xi32>
    %eq3A_193 = arith.cmpi eq, %iota3A, %eq3A_192 : vector<1x10112xi32>
    %jit3A = arith.constant 0.000000e+00 : f32
    %broadcast_in_dim3A = vector.broadcast %jit3A : f32 to vector<1x10112xf32>
    %select_n3A = arith.select %eq3A_193, %rsqrt3A, %broadcast_in_dim3A : vector<1x10112xi1>, vector<1x10112xf32>
    %add3A_194 = arith.addf %mul3A, %select_n3A : vector<1x10112xf32>
    %slice3A = vector.extract_strided_slice %add3A_194 {offsets = [0, 0], sizes = [1, 10000], strides = [1, 1]} : vector<1x10112xf32> to vector<1x10000xf32>
    %get3A_195 = arith.constant 0 : index
    %get3A_196 = arith.constant 0 : index
    %get3A_197 = vector.load %arg2[%get3A_195, %get3A_196] : memref<10000x256xf32, #tpu.memory_space<vmem>>, vector<10000x256xf32>
    %dot_general3A = arith.constant dense<0.000000e+00> : vector<1x256xf32>
    %dot_general3A_198 = tpu.matmul %slice3A, %get3A_197, %dot_general3A {dimension_numbers = #tpu.dot_dimension_numbers<[1], [0], [0], [1], [0, 0, 1, 1], [], []>, transpose_lhs_hint = false} : vector<1x10000xf32>, vector<10000x256xf32>, vector<1x256xf32> -> vector<1x256xf32>
    %get3A_199 = arith.constant 0 : index
    %get3A_200 = arith.constant 0 : index
    %get3A_201 = vector.load %arg3[%get3A_199, %get3A_200] : memref<256x256xf32, #tpu.memory_space<vmem>>, vector<256x256xf32>
    %dot_general3A_202 = arith.constant dense<0.000000e+00> : vector<1x256xf32>
    %dot_general3A_203 = tpu.matmul %dot_general3A_198, %get3A_201, %dot_general3A_202 {dimension_numbers = #tpu.dot_dimension_numbers<[1], [1], [0], [0], [0, 0, 1, 0], [], []>, transpose_lhs_hint = false} : vector<1x256xf32>, vector<256x256xf32>, vector<1x256xf32> -> vector<1x256xf32>
    %slice3A_204 = vector.extract_strided_slice %rsqrt3A {offsets = [0, 0], sizes = [1, 1], strides = [1, 1]} : vector<1x10112xf32> to vector<1x1xf32>
    %mul3A_205 = vector.broadcast %slice3A_204 : vector<1x1xf32> to vector<1x256xf32>
    %mul3A_206 = arith.mulf %mul3A_205, %dot_general3A_203 : vector<1x256xf32>
    %get3A_207 = arith.constant 0 : index
    %get3A_208 = arith.constant 0 : index
    %get3A_209 = vector.load %arg4[%get3A_207, %get3A_208] : memref<1x256xf32, #tpu.memory_space<vmem>>, vector<1x256xf32>
    %add3A_210 = arith.addf %mul3A_206, %get3A_209 : vector<1x256xf32>
    %get3A_211 = arith.constant 0 : index
    %get3A_212 = arith.constant 0 : index
    %get3A_213 = vector.load %arg12[%get3A_211, %get3A_212] : memref<1x256xf32, #tpu.memory_space<vmem>>, vector<1x256xf32>
    %mul3A_214 = arith.mulf %add3A_210, %get3A_213 : vector<1x256xf32>
    %reduce_sum3A = vector.shape_cast %mul3A_214 : vector<1x256xf32> to vector<1x1x256xf32>
    %reduce_sum3A_215 = arith.constant dense<0.000000e+00> : vector<1xf32>
    %reduce_sum3A_216 = vector.multi_reduction <add>, %reduce_sum3A, %reduce_sum3A_215 [1, 2] : vector<1x1x256xf32> to vector<1xf32>
    %reduce_sum3A_217 = vector.shape_cast %reduce_sum3A_216 : vector<1xf32> to vector<1x1x1xf32>
    %reduce_sum3A_218 = vector.extract %reduce_sum3A_217[0, 0, 0] : f32 from vector<1x1x1xf32>
    %get3A_219 = arith.constant 0 : index
    %get3A_220 = arith.constant 0 : index
    %get3A_221 = vector.load %arg6[%get3A_219, %get3A_220] : memref<1x1xf32, #tpu.memory_space<vmem>>, vector<1x1xf32>
    %get3A_222 = vector.extract %get3A_221[0, 0] : f32 from vector<1x1xf32>
    %add3A_223 = arith.addf %reduce_sum3A_218, %get3A_222 : f32
    %logistic3A = arith.negf %add3A_223 : f32
    %logistic3A_224 = math.exp %logistic3A : f32
    %logistic3A_225 = arith.constant 1.000000e+00 : f32
    %logistic3A_226 = arith.addf %logistic3A_225, %logistic3A_224 : f32
    %logistic3A_227 = arith.divf %logistic3A_225, %logistic3A_226 : f32
    %add3A_228 = arith.constant 1.000000e-07 : f32
    %add3A_229 = arith.addf %logistic3A_227, %add3A_228 : f32
    %get3A_230 = arith.constant 0 : index
    %get3A_231 = arith.constant 0 : index
    %get3A_232 = vector.load %arg7[%get3A_230, %get3A_231] : memref<1x512xf32, #tpu.memory_space<vmem>>, vector<1x512xf32>
    %sub3A = arith.constant 1.000000e+00 : f32
    %sub3A_233 = arith.subf %sub3A, %add3A_229 : f32
    %add3A_234 = arith.constant 1.000000e-07 : f32
    %add3A_235 = arith.addf %sub3A_233, %add3A_234 : f32
    %mul3A_236 = vector.broadcast %add3A_235 : f32 to vector<1x512xf32>
    %mul3A_237 = arith.mulf %get3A_232, %mul3A_236 : vector<1x512xf32>
    %get3A_238 = arith.constant 0 : index
    %get3A_239 = arith.constant 0 : index
    %get3A_240 = vector.load %arg5[%get3A_238, %get3A_239] : memref<1x256xf32, #tpu.memory_space<vmem>>, vector<1x256xf32>
    %concatenate3A = tpu.concatenate %get3A_240, %add3A_210 in 1 : vector<1x256xf32>, vector<1x256xf32> -> vector<1x512xf32>
    %get3A_241 = arith.constant 0 : index
    %get3A_242 = arith.constant 0 : index
    %get3A_243 = vector.load %arg8[%get3A_241, %get3A_242] : memref<256x512xf32, #tpu.memory_space<vmem>>, vector<256x512xf32>
    %dot_general3A_244 = arith.constant dense<0.000000e+00> : vector<1x256xf32>
    %dot_general3A_245 = tpu.matmul %concatenate3A, %get3A_243, %dot_general3A_244 {dimension_numbers = #tpu.dot_dimension_numbers<[1], [1], [0], [0], [0, 0, 1, 0], [], []>, transpose_lhs_hint = false} : vector<1x512xf32>, vector<256x512xf32>, vector<1x256xf32> -> vector<1x256xf32>
    %get3A_246 = arith.constant 0 : index
    %get3A_247 = arith.constant 0 : index
    %get3A_248 = vector.load %arg9[%get3A_246, %get3A_247] : memref<1x256xf32, #tpu.memory_space<vmem>>, vector<1x256xf32>
    %add3A_249 = arith.addf %dot_general3A_245, %get3A_248 : vector<1x256xf32>
    %tanh3A = math.tanh %add3A_249 : vector<1x256xf32>
    %get3A_250 = arith.constant 0 : index
    %get3A_251 = arith.constant 0 : index
    %get3A_252 = vector.load %arg10[%get3A_250, %get3A_251] : memref<10000x256xf32, #tpu.memory_space<vmem>>, vector<10000x256xf32>
    %dot_general3A_253 = arith.constant dense<0.000000e+00> : vector<1x10000xf32>
    %dot_general3A_254 = tpu.matmul %tanh3A, %get3A_252, %dot_general3A_253 {dimension_numbers = #tpu.dot_dimension_numbers<[1], [1], [0], [0], [0, 0, 1, 0], [], []>, transpose_lhs_hint = false} : vector<1x256xf32>, vector<10000x256xf32>, vector<1x10000xf32> -> vector<1x10000xf32>
    %get3A_255 = arith.constant 0 : index
    %get3A_256 = arith.constant 0 : index
    %get3A_257 = vector.load %arg11[%get3A_255, %get3A_256] : memref<1x10000xf32, #tpu.memory_space<vmem>>, vector<1x10000xf32>
    %add3A_258 = arith.addf %dot_general3A_254, %get3A_257 : vector<1x10000xf32>
    %reduce_max3A = arith.constant dense<0xFF800000> : vector<1xf32>
    %reduce_max3A_259 = vector.multi_reduction <maximumf>, %add3A_258, %reduce_max3A [1] : vector<1x10000xf32> to vector<1xf32>
    %broadcast_in_dim3A_260 = vector.shape_cast %reduce_max3A_259 : vector<1xf32> to vector<1x1xf32>
    %sub3A_261 = vector.broadcast %broadcast_in_dim3A_260 : vector<1x1xf32> to vector<1x10000xf32>
    %sub3A_262 = arith.subf %add3A_258, %sub3A_261 : vector<1x10000xf32>
    %exp3A = math.exp %sub3A_262 : vector<1x10000xf32>
    %reduce_sum3A_263 = arith.constant dense<0.000000e+00> : vector<1xf32>
    %reduce_sum3A_264 = vector.multi_reduction <add>, %exp3A, %reduce_sum3A_263 [1] : vector<1x10000xf32> to vector<1xf32>
    %broadcast_in_dim3A_265 = vector.shape_cast %reduce_sum3A_264 : vector<1xf32> to vector<1x1xf32>
    %div3A = vector.broadcast %broadcast_in_dim3A_265 : vector<1x1xf32> to vector<1x10000xf32>
    %div3A_266 = arith.divf %exp3A, %div3A : vector<1x10000xf32>
    %mul3A_267 = vector.broadcast %add3A_229 : f32 to vector<1x10000xf32>
    %mul3A_268 = arith.mulf %div3A_266, %mul3A_267 : vector<1x10000xf32>
    %log3A = math.log %mul3A_268 : vector<1x10000xf32>
    %swap3A = arith.constant 0 : index
    %swap3A_269 = arith.constant 0 : index
    %swap3A_270 = vector.load %arg13[%swap3A, %swap3A_269] : memref<1x10000xf32, #tpu.memory_space<vmem>>, vector<1x10000xf32>
    tpu.vector_store %arg13[%swap3A, %swap3A_269], %log3A {strides = array<i32>} : memref<1x10000xf32, #tpu.memory_space<vmem>>, vector<1x10000xf32>,
    %log3A_271 = math.log %mul3A_237 : vector<1x512xf32>
    %swap3A_272 = arith.constant 0 : index
    %swap3A_273 = arith.constant 0 : index
    %swap3A_274 = vector.load %arg14[%swap3A_272, %swap3A_273] : memref<1x512xf32, #tpu.memory_space<vmem>>, vector<1x512xf32>
    tpu.vector_store %arg14[%swap3A_272, %swap3A_273], %log3A_271 {strides = array<i32>} : memref<1x512xf32, #tpu.memory_space<vmem>>, vector<1x512xf32>,
    return
  }
}

</mosaic_0001>

<sc_bundles>
// kernel: kernel.6.cloned.1.call-start
scs
__scs_entry_jumppad:
0x0: {  	(pc) =	sbr.rel $0x88, $3  }
0x1: {  	(tag) =	ssettag $0x0;
	lr =	simm.s32 $0x1  }
0x2: {  	[smem:$0x3F8A] =	sst lr;
	_ =	strace $0xD0000000  }
0x3: {  	_ = 	snop  }
0x4: {  	_ = 	snop  }
0x5: {  	_ = 	snop  }
0x6: {  	_ = 	snop  }
0x7: {  	_ = 	snop  }
__scs_overlays_trampoline_lowered:
0x8: {  	[smem:$0x3F99] =	sst s0  }
0x9: {  	[smem:$0x3F9A] =	sst s1  }
0xa: {  	[smem:$0x3F9B] =	sst s2  }
0xb: {  	[smem:$0x3F9C] =	sst s3  }
0xc: {  	[smem:$0x3F9D] =	sst s4  }
0xd: {  	[smem:$0x3F9E] =	sst s5  }
0xe: {  	[smem:$0x3F9F] =	sst s6  }
0xf: {  	[smem:$0x3FA0] =	sst s7  }
0x10: {  	[smem:$0x3FA1] =	sst s8  }
0x11: {  	[smem:$0x3FA2] =	sst s9;
	s0 =	simm.s32 @!p0 $0x0  }
0x12: {  	s1 =	sld [smem:$0x3F88];
	s0 =	simm.s32 @p0 $0x1  }
0x13: {  	[smem:$0x3FA3] =	sst s0;
	s0 =	simm.s32 @!p1 $0x0  }
0x14: {  	s2 =	sld [smem:$0x3F87];
	s0 =	simm.s32 @p1 $0x1  }
0x15: {  	[smem:$0x3FA4] =	sst s0;
	s0 =	simm.s32 @!p2 $0x0  }
0x16: {  	s3 =	sld [smem:$0x3FDB];
	s0 =	simm.s32 @p2 $0x1  }
0x17: {  	s4 =	simm.s32 $0x1BF5;
	[smem:$0x3FA6] =	sst s0  }
0x18: {  	s0 =	sld [smem:$0x3F89];
	_ =	swait.ge [sflag:s4], $0x0  }
0x19: {  	s7 =	sld [smem:$0x3F8A]  }
0x1a: {  	s8 =	sadd.s32 $0xFFFFE003, lr  }
0x1b: {  	s9 =	sadd.s32 $0xFFFFFEF7, lr;
	s5 =	simm.s32 $0xFFFFFFFF;
	p2 =	slt.u32 s8, $0xFFFFF086  }
0x1c: {  	p1 =	slt.u32 s9, $0xF7A;
	s5 =	simm.s32 @!p2 $0x0  }
0x1d: {  	s5 =	simm.s32 @p1 $0x1;
	p0 =	seq.s32 s7, s2  }
0x1e: {  	s7 =	smul.u32 @!p0 $0xF7A, s2;
	p2 =	seq.s32 @!p0 s5, $0x0  }
0x1f: {  	s9 =	smul.u32 $0xF7A, s1;
	s8 =	simm.s32 @!p0 $0x1BF5;
	p2 =	por !p2, p0  }
0x20: {  	[sflag:s8] =	ssyncset.s32 @!p0 $0xFFFFF086;
	s6 =	sadd.s32 @!p0 s3, s7;
	s7 =	simm.s32 @!p0 $0x108  }
0x21: {  	s3 =	sadd.s32 s3, s9;
	s6 =	sadd.s32 @!p0 $0x88, s6;
	s7 =	simm.s32 @p2 $0x1082  }
0x22: {  	[simem:s7], [sflag:s8] =	dma.local @!p0 [hbm:s6], $0xF7A  }
0x23: {  	s9 =	sor.u32 $0xD0000000, s2;
	s6 =	simm.s32 $0x108;
	_ =	swait.ge @!p0 [sflag:s8], $0x0  }
0x24: {  	s3 =	sadd.s32 $0x88, s3;
	s6 =	simm.s32 @!p1 $0x1082;
	[sflag:s4] =	ssyncset.s32 $0xFFFFF086  }
0x25: {  	[simem:s6], [sflag:s4] =	dma.local [hbm:s3], $0xF7A  }
0x26: {  	[smem:$0x3F8A] =	sst s1;
	(tag) =	ssettag s2;
	_ =	strace s9  }
0x27: {  	s1 =	sld [smem:$0x3F9A]  }
0x28: {  	s2 =	sld [smem:$0x3F9B]  }
0x29: {  	s4 =	sld [smem:$0x3F9D]  }
0x2a: {  	p0 =	seq.s32 s5, $0x0;
	s5 =	sld [smem:$0x3F9E]  }
0x2b: {  	s6 =	sld [smem:$0x3F9F]  }
0x2c: {  	s7 =	sld [smem:$0x3FA0]  }
0x2d: {  	s3 =	simm.s32 $0x108;
	s8 =	sld [smem:$0x3FA1]  }
0x2e: {  	s3 =	simm.s32 @!p0 $0x1082;
	s9 =	sld [smem:$0x3FA2]  }
0x2f: {  	lr =	sadd.s32 s0, s3;
	s0 =	sld [smem:$0x3F99]  }
0x30: {  	s3 =	sld [smem:$0x3F9C]  }
0x31: {  	[smem:$0x3FA5] =	sst s10  }
0x32: {  	s10 =	sld [smem:$0x3FA3];
	_ =	sdelay $0x3  }
0x33: {  	p0 =	seq.s32 s10, $0x1;
	s10 =	sld [smem:$0x3FA5];
	_ =	sdelay $0x3  }
0x34: {  	[smem:$0x3FA5] =	sst s10  }
0x35: {  	s10 =	sld [smem:$0x3FA4];
	_ =	sdelay $0x3  }
0x36: {  	p1 =	seq.s32 s10, $0x1;
	s10 =	sld [smem:$0x3FA5];
	_ =	sdelay $0x3  }
0x37: {  	[smem:$0x3FA5] =	sst s10  }
0x38: {  	s10 =	sld [smem:$0x3FA6]  }
0x39: {  	_ = 	snop;
	(pc) =	sbr.ind lr, $3  }
0x3a: {  	_ = 	snop  }
0x3b: {  	_ = 	snop  }
0x3c: {  	p2 =	seq.s32 s10, $0x1;
	s10 =	sld [smem:$0x3FA5]  }
0x3d: {  	_ =	shalt  }
0x3e: {  	_ =	shalt  }
0x3f: {  	_ =	shalt  }
0x40: {  	_ =	shalt  }
0x41: {  	_ =	shalt  }
0x42: {  	_ =	shalt  }
0x43: {  	_ =	shalt  }
0x44: {  	_ =	shalt  }
0x45: {  	_ =	shalt  }
0x46: {  	_ =	shalt  }
0x47: {  	_ =	shalt  }
0x48: {  	_ =	shalt  }
0x49: {  	_ =	shalt  }
0x4a: {  	_ =	shalt  }
0x4b: {  	_ =	shalt  }
0x4c: {  	_ =	shalt  }
0x4d: {  	_ =	shalt  }
0x4e: {  	_ =	shalt  }
0x4f: {  	_ =	shalt  }
0x50: {  	_ =	shalt  }
0x51: {  	_ =	shalt  }
0x52: {  	_ =	shalt  }
0x53: {  	_ =	shalt  }
0x54: {  	_ =	shalt  }
0x55: {  	_ =	shalt  }
0x56: {  	_ =	shalt  }
0x57: {  	_ =	shalt  }
0x58: {  	_ =	shalt  }
0x59: {  	_ =	shalt  }
0x5a: {  	_ =	shalt  }
0x5b: {  	_ =	shalt  }
0x5c: {  	_ =	shalt  }
0x5d: {  	_ =	shalt  }
0x5e: {  	_ =	shalt  }
0x5f: {  	_ =	shalt  }
0x60: {  	_ =	shalt  }
0x61: {  	_ =	shalt  }
0x62: {  	_ =	shalt  }
0x63: {  	_ =	shalt  }
0x64: {  	_ =	shalt  }
0x65: {  	_ =	shalt  }
0x66: {  	_ =	shalt  }
0x67: {  	_ =	shalt  }
0x68: {  	_ =	shalt  }
0x69: {  	_ =	shalt  }
0x6a: {  	_ =	shalt  }
0x6b: {  	_ =	shalt  }
0x6c: {  	_ =	shalt  }
0x6d: {  	_ =	shalt  }
0x6e: {  	_ =	shalt  }
0x6f: {  	_ =	shalt  }
0x70: {  	_ =	shalt  }
0x71: {  	_ =	shalt  }
0x72: {  	_ =	shalt  }
0x73: {  	_ =	shalt  }
0x74: {  	_ =	shalt  }
0x75: {  	_ =	shalt  }
0x76: {  	_ =	shalt  }
0x77: {  	_ =	shalt  }
0x78: {  	_ =	shalt  }
0x79: {  	_ =	shalt  }
0x7a: {  	_ =	shalt  }
0x7b: {  	_ =	shalt  }
0x7c: {  	_ =	shalt  }
0x7d: {  	_ =	shalt  }
0x7e: {  	_ =	shalt  }
0x7f: {  	_ =	shalt  }
0x80: {  	_ =	shalt  }
0x81: {  	_ =	shalt  }
0x82: {  	_ =	shalt  }
0x83: {  	_ =	shalt  }
0x84: {  	_ =	shalt  }
0x85: {  	_ =	shalt  }
0x86: {  	_ =	shalt  }
0x87: {  	_ =	shalt  }
.Lfunc_end0:
.L_simem_size_0:
called_computation_lowered:
.L_overlay_start_0:
0x88: {  	s2 =	sld [smem:$0x3FD9]  }
0x89: {  	s3 =	sld [smem:$0x3FFE];
	_ =	sdelay $0x1  }
0x8a: {  	s1 =	srdreg.scid  }
0x8b: {  	s0 =	sand.u32 $0x1, s1  }
0x8c: {  	s14 =	sshll.u32 s0, $0xA;
	s2 =	sadd.s32 s3, s2  }
0x8d: {  	s2 =	sadd.s32 s2, s14  }
0x8e: {  	[smem:$0x3FB1] =	sst s2  }
0x8f: {  	_ = 	snop  }
0x90: {  	s2 =	sld [smem:$0x3FD0];
	_ =	sdelay $0x2  }
0x91: {  	s4 =	simm.s32 $0xA;
	s5 =	simm.s32 $0x10;
	s15 =	sld [smem:$0x3FC4]  }
0x92: {  	[smem:s5], [sflag:s4] =	dma.local [hbm:s2], $0x1  }
0x93: {  	_ =	swait.eq [sflag:s4], $0x1  }
0x94: {  	[sflag:s4] =	ssyncset.done $0x0  }
0x95: {  	[sflag:s4] =	ssyncadd.s32 $0xFFFFFFFF  }
0x96: {  	s16 =	sld [smem:$0x10];
	(tm) =	ssettm $0x1  }
0x97: {  	s17 =	sld [smem:$0x3FFB];
	_ =	sdelay $0x3  }
0x98: {  	_ =	strace s17  }
0x99: {  	s4 =	sld [smem:$0x3FFC];
	_ =	sdelay $0x3  }
0x9a: {  	_ =	strace s4  }
0x9b: {  	s4 =	sld [smem:$0x3FFD];
	_ =	sdelay $0x3  }
0x9c: {  	_ =	strace s4  }
0x9d: {  	_ =	strace $0x8FFFFFFF  }
0x9e: {  	s18 =	sld [smem:$0x3FDB];
	_ =	sdelay $0x1  }
0x9f: {  	s19 =	simm.s32 $_scs_section_size  }
0xa0: {  	s6 =	simm.s32 $_size__tile_overlayer_lowered;
	s7 =	simm.s32 $_tile_overlayer_lowered  }
0xa1: {  	s22 =	simm.s32 $0x1BFF;
	s21 =	sshll.u32 s7, $0x1;
	s4 =	sadd.s32 s19, s18  }
0xa2: {  	s8 =	simm.s32 $0x0;
	s20 =	sshll.u32 s6, $0x1;
	s6 =	sadd.s32 s21, s4  }
0xa3: {  	[timem:s8], [sflag:s22] =	dma.local [hbm:s6], s20  }
0xa4: {  	_ =	swait.ge [sflag:s22], s20  }
0xa5: {  	s5 =	ssub.s32 $0x0, s20;
	[sflag:s22] =	ssyncset.done $0x0  }
0xa6: {  	[sflag:s22] =	ssyncadd.s32 s5;
	_ =	sdelay $0x1  }
0xa7: {  	s23 =	simm.s32 $0x1B8B  }
0xa8: {  	_ =	swait.ge [sflag:s23], $0x1  }
0xa9: {  	[sflag:s23] =	ssyncset.done $0x0  }
0xaa: {  	s25 =	simm.s32 $0x1B8E;
	s24 =	sld [smem:$0x3FFE];
	[sflag:s23] =	ssyncadd.s32 $0xFFFFFFFF  }
0xab: {  	s26 =	simm.s32 $execute0_lowered;
	[smem:$0x3FD2] =	sst s25  }
0xac: {  	s6 =	sshll.u32 s26, $0x1;
	_ =	strace $0x80000046;
	[dreg:$0x1] =	wrdreg $0xFFFFFFFF  }
0xad: {  	s28 =	simm.s32 $_size_execute0_lowered;
	s4 =	sadd.s32 s4, s6;
	[dreg:$0x0] =	wrdreg $0x0  }
0xae: {  	s6 =	sshll.u32 s28, $0x1;
	[dreg:$0x2] =	wrdreg s4  }
0xaf: {  	[dreg:$0x3] =	wrdreg s6  }
0xb0: {  	[dreg:$0x4] =	wrdreg $0xC0  }
0xb1: {  	_ =	task [dreg:s8], $0x5FFFF  }
0xb2: {  	[dreg:$0x1] =	wrdreg $0xFFFFFFFF  }
0xb3: {  	[dreg:$0x0] =	wrdreg $0x60  }
0xb4: {  	[dreg:$0x2] =	wrdreg s15  }
0xb5: {  	[dreg:$0x3] =	wrdreg s24  }
0xb6: {  	[dreg:$0x4] =	wrdreg s16  }
0xb7: {  	[dreg:$0x5] =	wrdreg $0x9  }
0xb8: {  	_ =	task.clear_ibuf [dreg:s8], $0x6FFFF;
	_ =	strace $0x90000046  }
0xb9: {  	s29 =	simm.s32 $0x9;
	_ =	strace $0x80000048  }
0xba: {  	_ =	swait.ge [sflag:s29], $0x1  }
0xbb: {  	[sflag:s29] =	ssyncadd.s32 $0xFFFFFFFF  }
0xbc: {  	_ =	strace $0x90000048  }
0xbd: {  	_ =	sfence  }
0xbe: {  	s30 =	sld [smem:$0x0];
	_ =	sdelay $0x2  }
0xbf: {  	s31 =	sshll.u32 s1, $0xD;
	s1 =	sshrl.u32 s1, $0x2  }
0xc0: {  	s3 =	sand.u32 $0x4000, s31;
	s1 =	sadd.s32 s1, s30  }
0xc1: {  	s0 =	sor.u32 s3, s0;
	s1 =	sshll.u32 s1, $0x11  }
0xc2: {  	s0 =	sor.u32 s1, s0  }
0xc3: {  	s0 =	sadd.s32 $0x8F2B, s0  }
0xc4: {  	[sflag:s0] =	ssyncadd.remote.s32 $0x1  }
0xc5: {  	_ =	sfence.sel $0xFFFF  }
0xc6: {  	[dreg:$0x0] =	wrdreg $0xFFFFFFFF;
	(pc) =	sbr.abs _section_cstart, $3  }
0xc7: {  	[dreg:$0x1] =	wrdreg $0xFFFFFFFF  }
0xc8: {  	_ =	task.clear_ibuf [dreg:s8], $0x2FFFF;
	_ =	strace $0x9FFFFFFF  }
0xc9: {  	(tm) =	ssettm $0x7FFFFFFF  }
tec
execute0_lowered:
.L_overlay_start_1:
0x0: {  	(tag) =	ssettag $0x1  }
0x1: {  	s7 =	rddreg [dreg:$0x0];
	s1 =	srdreg.scid  }
0x2: {  	s0 =	stileid.u32;
	s8 =	rddreg [dreg:$0x1]  }
0x3: {  	s2 =	rddreg [dreg:$0x2];
	s3 =	simm.s32 $0x0;
	s15 =	simm.s32 $0x3D80  }
0x4: {  	s16 =	simm.s32 $0x3E00;
	s4 =	sand.u32 $0x1, s1;
	s30 =	sshll.u32 s0, $0x1  }
0x5: {  	v0 =	vimm.s32 $0xFFEDCBA9;
	v1 =	vimm.s32 $0x87654321;
	s17 =	simm.s32 $0x3E80;
	s18 =	simm.s32 $0x6600;
	s12 =	sor.u32 s4, s30  }
0x6: {  	v2 =	vimm.s32 $0xEDCBA987;
	s19 =	simm.s32 $0x0;
	[smem:$0x7FF] =	sst s3;
	v0 =	vunpack.c.l.s4.s8 v0;
	v1 =	vunpack.c.l.s4.s8 v1;
	s5 =	smul.u32 $0x270, s12  }
0x7: {  	v3 =	vimm.s32 $0x65432100;
	s1 =	rddreg [dreg:$0x3];
	_ =	strace $0x80000047;
	s6 =	smul.u32 $0x4F0, s12  }
0x8: {  	v2 =	vunpack.c.l.s4.s8 v2;
	s9 =	ssub.s32 $0x2, s4;
	s4 =	sadd.s32 $0x9C00, s8;
	s10 =	smul.u32 $0x4E0, s12;
	v0 =	vunpack.c.0.s8.s32 v0;
	v1 =	vunpack.c.0.s8.s32 v1  }
0x9: {  	v3 =	vunpack.c.l.s4.s8 v3;
	s31 =	sshrl.u32 s9, $0x1;
	p0 =	sne.s32 s12, $0x1F;
	s12 =	simm.s32 $0x8D80  }
0xa: {  	v5 =	vunpack.c.0.s8.s32 v2;
	s14 =	ssub.s32 s9, s31;
	s11 =	sadd.s32 s5, s8;
	s13 =	sadd.s32 s6, s8;
	v4 =	vcombine.low v1, v0  }
0xb: {  	vm0 =	vcmask $0x3F3C;
	vm1 =	vcmask $0x3F04;
	v6 =	vunpack.c.0.s8.s32 v3;
	s5 =	sadd.s32 s7, s10;
	s7 =	sadd.s32 $0x9720, s7;
	s8 =	sadd.s32 $0x9790, s8  }
0xc: {  	v2 =	vimm.f32 $0.0e+00;
	s6 =	sadd.s32 $0x4C00, s11;
	s9 =	sadd.s32 $0x9E00, s13;
	s10 =	sadd.s32 $0x13C00, s13;
	v3 =	vand.u32 $0xF, v4;
	v4 =	vand.u32 $0xF, v5  }
0xd: {  	v0 =	vimm.s32 $0x0;
	v1 =	vimm.f32 $-1.000000020e+30;
	s11 =	smax.u32 s14, $0x1;
	s13 =	simm.s32 $0x1;
	s14 =	simm.s32 $0x8E00;
	v4 =	vcombine.low v6, v4  }
.LBB2_1:
0xe: {  	s20 =	simm.s32 $0x2700  }
0xf: {  	s21 =	simm.s32 $0x1380;
	s23 =	sand.u32 $0x70, s3;
	s20 =	sand.u32 $0x2F00, s20  }
0x10: {  	s21 =	sand.u32 $0x1780, s21;
	s22 =	sor.u32 s23, s20  }
0x11: {  	s20 =	simm.s32 $0x2720;
	s23 =	sor.u32 s23, s21;
	s21 =	simm.s32 $0x0;
	[tilespmem:s22+$0x80] =	vst v0  }
.LBB2_2:
0x12: {  	p1 =	sne.s32 s20, $0x28E0  }
0x13: {  	[tilespmem:s22+$0x0] =	vst v0;
	s21 =	sadd.s32 $0x10, s21;
	s22 =	smov.u32 s20;
	s20 =	sadd.s32 $0x20, s20  }
.Ltmp0:
0x14: {  	[tilespmem:s23+$0x2900] =	vst v1;
	(pc) =	sbr.rel @p1 .LBB2_2-.Ltmp0, $4  }
0x15: {  	_ = 	snop  }
0x16: {  	s23 =	sadd.s32 $0x1380, s21;
	s24 =	sand.u32 $0x70, s21;
	s22 =	sand.u32 $0x2F00, s22  }
0x17: {  	s22 =	sor.u32 s24, s22;
	s23 =	sand.u32 $0x1780, s23  }
0x18: {  	s23 =	sor.u32 s24, s23;
	[tilespmem:s22+$0x80] =	vst v0  }
0x19: {  	[tilespmem:s22+$0x0] =	vst v0  }
0x1a: {  	s20 =	simm.s32 @p0 $0x0;
	s21 =	simm.s32 @p0 $0x1;
	[tilespmem:s23+$0x2900] =	vst v1  }
0x1b: {  	[tilespmem:s20], [sflag:$0x1] =	stream.linear.gather @p0 [hbm4b:s5+s20], $0x2700, $0x38;
	[tilespmem:$0x8E80] =	vst v63  }
0x1c: {  	_ =	swait.ge @p0 [sflag:s21], $0x2700  }
0x1d: {  	[sflag:s21] =	ssyncset.done @p0 $0x0  }
0x1e: {  	s22 =	simm.s32 @p0 $0x2900;
	[sflag:s21] =	ssyncadd.s32 @p0 $0xFFFFD900  }
0x1f: {  	[tilespmem:s22], [sflag:$0x1] =	stream.linear.gather @p0 [hbm4b:s6+s20], $0x1380, $0x38;
	[tilespmem:$0x8E80] =	vst v63  }
0x20: {  	_ =	swait.ge @p0 [sflag:s21], $0x1380  }
0x21: {  	[sflag:s21] =	ssyncset.done @p0 $0x0  }
0x22: {  	s20 =	simm.s32 @!p0 $0x0;
	[sflag:s21] =	ssyncadd.s32 @p0 $0xFFFFEC80;
	s21 =	simm.s32 @!p0 $0x1  }
0x23: {  	[tilespmem:s20], [sflag:$0x1] =	stream.linear.gather @!p0 [hbm4b:s7+s20], $0x2900, $0x38;
	[tilespmem:$0x8E80] =	vst v63  }
0x24: {  	_ =	swait.ge @!p0 [sflag:s21], $0x2900  }
0x25: {  	[sflag:s21] =	ssyncset.done @!p0 $0x0  }
0x26: {  	s22 =	simm.s32 @!p0 $0x2900;
	[sflag:s21] =	ssyncadd.s32 @!p0 $0xFFFFD700  }
0x27: {  	[tilespmem:s22], [sflag:$0x1] =	stream.linear.gather @!p0 [hbm4b:s8+s20], $0x1480, $0x38;
	[tilespmem:$0x8E80] =	vst v63  }
0x28: {  	_ =	swait.ge @!p0 [sflag:s21], $0x1480  }
0x29: {  	[sflag:s21] =	ssyncset.done @!p0 $0x0  }
0x2a: {  	s31 =	simm.s32 $0x0;
	[sflag:s21] =	ssyncadd.s32 @!p0 $0xFFFFEB80  }
0x2b: {  	[tilespmem:s12], [sflag:$0x1] =	stream.linear.gather [hbm4b:s2+s31], $0x80, $0x38;
	[tilespmem:$0x8E80] =	vst v63  }
0x2c: {  	_ =	swait.ge [sflag:s13], $0x80  }
0x2d: {  	[sflag:s13] =	ssyncset.done $0x0  }
0x2e: {  	[sflag:s13] =	ssyncadd.s32 $0xFFFFFF80  }
0x2f: {  	[tilespmem:s14], [sflag:$0x1] =	stream.linear.gather [hbm4b:s4+s31], $0x80, $0x38;
	[tilespmem:$0x8E80] =	vst v63  }
0x30: {  	_ =	swait.ge [sflag:s13], $0x80  }
0x31: {  	[sflag:s13] =	ssyncset.done $0x0  }
0x32: {  	s20 =	simm.s32 $0x40;
	s21 =	simm.s32 $0x0;
	[sflag:s13] =	ssyncadd.s32 $0xFFFFFF80  }
.LBB2_4:
0x33: {  	p1 =	sne.s32 s20, $0x9DC0;
	[tilespmem:s21+$0x3E80] =	vst v2;
	s22 =	smov.u32 s20;
	s20 =	sadd.s32 $0x40, s20  }
.Ltmp1:
0x34: {  	[tilespmem:s21+$0x6600] =	vst v2;
	(pc) =	sbr.rel @p1 .LBB2_4-.Ltmp1, $2  }
0x35: {  	_ =	sdelay $0x2  }
0x36: {  	s21 =	sshra.s32 s22, $0x2  }
0x37: {  	[tilespmem:s21+$0x3E80] =	vst v2  }
0x38: {  	[tilespmem:s21+$0x6600] =	vst v2  }
0x39: {  	s20 =	simm.s32 $0x2900;
	v5 =	vld [tilespmem:$0x8D80]  }
0x3a: {  	v6 =	vld [tilespmem:s20+$0x0];
	_ =	sdelay $0x4  }
0x3b: {  	v6 =	vsub.f32 v6, v5;
	_ =	sdelay $0x1  }
0x3c: {  	v6 =	vmul.f32 $1.442695020e+00, v6;
	_ =	sdelay $0x1  }
0x3d: {  	(erf) = vpow2.f32 v6;
	_ =	sdelay $0x2  }
0x3e: {  	s21 =	simm.s32 $0x0  }
0x3f: {  	s22 =	sand.u32 $0x70, s21;
	s23 =	sand.u32 $0x3F00, s21  }
0x40: {  	s22 =	sor.u32 s22, s23;
	v6 =	vld [tilespmem:$0x8E00]  }
0x41: {  	v7 =	vld [tilespmem:s22+$0x80];
	_ =	sdelay $0x2  }
0x42: {  	v8 =	vpop (erf)  }
0x43: {  	v8 =	vmul.f32 v8, v6  }
0x44: {  	vm2 =	veq.s32 v7, $0x0  }
0x45: {  	v9 =	vnsel vm2, $0x0, v8  }
0x46: {  	(xrf0) =	vmax.scan.msk.f32 $0xffff, v9;
	_ =	sdelay $0x5  }
0x47: {  	v10, _, _ =	vpop (xrf0)  }
0x48: {  	(v2sf) =	vpush v10, $0xF;
	_ =	sdelay $0x1  }
0x49: {  	v7 =	vxor.u32 $0x80000000, v7  }
0x4a: {  	(xrf1) =	vsort.ascd.msk.u32 $0xffff, v7, v8;
	_ =	sdelay $0x9  }
0x4b: {  	v7 =	vld [tilespmem:s22+$0x0];
	_ =	sdelay $0x1  }
0x4c: {  	s31 =	spop (v2sf)  }
0x4d: {  	p2 =	sgt.f32 s31, $0.0e+00  }
0x4e: {  	v8, v10, _ =	vpop (xrf1)  }
0x4f: {  	(xrf2) =	vadd.scan.msk.f32 $0xffff, v10;
	v7 =	vxor.u32 @p2 $0x80000000, v7  }
0x50: {  	(xrf1) =	vsort.ascd.msk.u32 @p2 $0xffff, v7, v9;
	_ =	sdelay $0x7  }
0x51: {  	v8 =	vxor.u32 $0x80000000, v8  }
0x52: {  	[tilespmem:$0x3D80] =	vst v8;
	v7, _, _ =	vpop (xrf2)  }
0x53: {  	[tilespmem:$0x3E00] =	vst v7  }
0x54: {  	v9 =	vld.idx.msk [tilespmem:v3+s15+$0x0], $0xffff  }
0x55: {  	v10 =	vld.idx.msk [tilespmem:v4+s15+$0x0], $0xffff  }
0x56: {  	v11 =	vimm.s32 @p2 $0xFFEDCBA9  }
0x57: {  	v12 =	vimm.s32 @p2 $0x87654321;
	v11 =	vunpack.c.l.s4.s8 @p2 v11;
	v13, v14, _ =	vpop @p2 (xrf1)  }
0x58: {  	v15 =	vimm.s32 @p2 $0xEDCBA987;
	v12 =	vunpack.c.l.s4.s8 @p2 v12;
	(xrf2) =	vadd.scan.msk.f32 @p2 $0xffff, v14  }
0x59: {  	v15 =	vunpack.c.l.s4.s8 @p2 v15;
	vm2 =	vne.s32 v8, v9;
	v9 =	vunpack.c.0.s8.s32 @p2 v11  }
0x5a: {  	v11 =	vld.idx.msk [tilespmem:v4+s16+$0x0], $0xffff;
	vm3 =	vne.s32 v8, v10;
	vm2 =	vmor vm2, vm0;
	v14 =	vimm.s32 @p2 $0x65432100  }
0x5b: {  	v10 =	vunpack.c.0.s8.s32 @p2 v12;
	vm3 =	vmand vm3, vm1;
	v12 =	vunpack.c.l.s4.s8 @p2 v14  }
0x5c: {  	v14 =	vunpack.c.0.s8.s32 @p2 v15  }
0x5d: {  	v9 =	vcombine.low @p2 v10, v9;
	v10 =	vunpack.c.0.s8.s32 @p2 v12  }
0x5e: {  	v12 =	vand.u32 @p2 $0xF, v14  }
0x5f: {  	v9 =	vand.u32 @p2 $0xF, v9;
	v11 =	vsub.f32 $0.0e+00, v11;
	v10 =	vcombine.low @p2 v10, v12  }
0x60: {  	[tilespmem:v8+s17+$0x0] =	vst.idx.add.f32.msk vm2, v7  }
0x61: {  	v7 =	vxor.u32 @p2 $0x80000000, v13;
	[tilespmem:v8+s17+$0x0] =	vst.idx.add.f32.msk vm3, v11  }
0x62: {  	[tilespmem:$0x3D80] =	vst @p2 v7;
	v8, _, _ =	vpop @p2 (xrf2)  }
0x63: {  	s22 =	simm.s32 @p2 $0x3D80;
	[tilespmem:$0x3E00] =	vst @p2 v8  }
0x64: {  	v9 =	vld.idx.msk @p2 [tilespmem:v9+s22+$0x0], $0xffff  }
0x65: {  	v11 =	vld.idx.msk @p2 [tilespmem:v10+s22+$0x0], $0xffff;
	_ =	sdelay $0x2  }
0x66: {  	s22 =	simm.s32 @p2 $0x3E00  }
0x67: {  	vm3 =	vcmask @p2 $0x3F3C;
	v10 =	vld.idx.msk @p2 [tilespmem:v10+s22+$0x0], $0xffff;
	vm2 =	vne.s32 @p2 v7, v9  }
0x68: {  	vm5 =	vcmask @p2 $0x3F04;
	vm4 =	vne.s32 @p2 v7, v11;
	vm3 =	vmor @p2 vm2, vm3  }
0x69: {  	vm2 =	vmand @p2 vm4, vm5;
	_ =	sdelay $0x2  }
0x6a: {  	s23 =	simm.s32 @p2 $0x6600;
	s22 =	simm.s32 $0x10;
	v9 =	vsub.f32 @p2 $0.0e+00, v10  }
.LBB2_6:
0x6b: {  	s21 =	sadd.s32 $0x20, s21  }
0x6c: {  	[tilespmem:v7+s23+$0x0] =	vst.idx.add.f32.msk @p2 vm3, v8;
	s20 =	sadd.s32 $0x10, s20;
	s24 =	smov.u32 s22;
	s22 =	sadd.s32 $0x10, s22  }
0x6d: {  	p1 =	sne.s32 s22, $0x1480;
	[tilespmem:v7+s23+$0x0] =	vst.idx.add.f32.msk @p2 vm2, v9  }
0x6e: {  	v7 =	vld [tilespmem:s20+$0x0];
	_ =	sdelay $0x4  }
0x6f: {  	v7 =	vsub.f32 v7, v5;
	_ =	sdelay $0x1  }
0x70: {  	v7 =	vmul.f32 $1.442695020e+00, v7;
	_ =	sdelay $0x1  }
0x71: {  	(erf) = vpow2.f32 v7;
	_ =	sdelay $0x3  }
0x72: {  	s23 =	sand.u32 $0x70, s24;
	s24 =	sand.u32 $0x3F00, s21  }
0x73: {  	s23 =	sor.u32 s23, s24  }
0x74: {  	v7 =	vld [tilespmem:s23+$0x80];
	_ =	sdelay $0x2  }
0x75: {  	v8 =	vpop (erf)  }
0x76: {  	v8 =	vmul.f32 v8, v6  }
0x77: {  	v9 =	vxor.u32 $0x80000000, v7;
	vm2 =	veq.s32 v7, $0x0  }
0x78: {  	v7 =	vnsel vm2, $0x0, v8;
	(xrf1) =	vsort.ascd.msk.u32 $0xffff, v9, v8  }
0x79: {  	(xrf0) =	vmax.scan.msk.f32 $0xffff, v7;
	_ =	sdelay $0x5  }
0x7a: {  	v8, _, _ =	vpop (xrf0)  }
0x7b: {  	(v2sf) =	vpush v8, $0xF;
	_ =	sdelay $0x5  }
0x7c: {  	v8, v9, _ =	vpop (xrf1)  }
0x7d: {  	(xrf2) =	vadd.scan.msk.f32 $0xffff, v9;
	_ =	sdelay $0x5  }
0x7e: {  	v9 =	vld [tilespmem:s23+$0x0];
	_ =	sdelay $0x1  }
0x7f: {  	s23 =	spop (v2sf)  }
0x80: {  	p2 =	sgt.f32 s23, $0.0e+00  }
0x81: {  	v10, _, _ =	vpop (xrf2)  }
0x82: {  	v9 =	vxor.u32 @p2 $0x80000000, v9;
	v11 =	vimm.s32 @p2 $0xFFEDCBA9;
	v12 =	vimm.s32 @p2 $0x87654321  }
0x83: {  	v13 =	vimm.s32 @p2 $0xEDCBA987;
	v11 =	vunpack.c.l.s4.s8 @p2 v11;
	v12 =	vunpack.c.l.s4.s8 @p2 v12;
	(xrf1) =	vsort.ascd.msk.u32 @p2 $0xffff, v9, v7  }
0x84: {  	v7 =	vimm.s32 @p2 $0x65432100;
	v9 =	vunpack.c.l.s4.s8 @p2 v13  }
0x85: {  	v7 =	vunpack.c.l.s4.s8 @p2 v7;
	v11 =	vunpack.c.0.s8.s32 @p2 v11;
	v12 =	vunpack.c.0.s8.s32 @p2 v12  }
0x86: {  	v9 =	vunpack.c.0.s8.s32 @p2 v9  }
0x87: {  	v7 =	vunpack.c.0.s8.s32 @p2 v7;
	v11 =	vcombine.low @p2 v12, v11  }
0x88: {  	v9 =	vand.u32 @p2 $0xF, v9  }
0x89: {  	v11 =	vand.u32 @p2 $0xF, v11;
	_ =	sdelay $0x1  }
0x8a: {  	v8 =	vxor.u32 $0x80000000, v8;
	[tilespmem:$0x3E00] =	vst v10  }
0x8b: {  	[tilespmem:$0x3D80] =	vst v8  }
0x8c: {  	v12 =	vld.idx.msk [tilespmem:v3+s15+$0x0], $0xffff  }
0x8d: {  	v13 =	vld.idx.msk [tilespmem:v4+s15+$0x0], $0xffff;
	_ =	sdelay $0x2  }
0x8e: {  	v14, v15, _ =	vpop @p2 (xrf1)  }
0x8f: {  	(xrf2) =	vadd.scan.msk.f32 @p2 $0xffff, v15  }
0x90: {  	vm2 =	vne.s32 v8, v12;
	v15 =	vld.idx.msk [tilespmem:v4+s16+$0x0], $0xffff  }
0x91: {  	vm2 =	vmor vm2, vm0;
	vm3 =	vne.s32 v8, v13  }
0x92: {  	vm3 =	vmand vm3, vm1;
	_ =	sdelay $0x3  }
0x93: {  	v9 =	vcombine.low @p2 v7, v9;
	v12 =	vsub.f32 $0.0e+00, v15  }
0x94: {  	[tilespmem:v8+s17+$0x0] =	vst.idx.add.f32.msk vm2, v10  }
0x95: {  	v7 =	vxor.u32 @p2 $0x80000000, v14;
	[tilespmem:v8+s17+$0x0] =	vst.idx.add.f32.msk vm3, v12  }
0x96: {  	[tilespmem:$0x3D80] =	vst @p2 v7;
	v8, _, _ =	vpop @p2 (xrf2)  }
0x97: {  	s23 =	simm.s32 @p2 $0x3D80;
	[tilespmem:$0x3E00] =	vst @p2 v8  }
0x98: {  	v10 =	vld.idx.msk @p2 [tilespmem:v11+s23+$0x0], $0xffff  }
0x99: {  	v11 =	vld.idx.msk @p2 [tilespmem:v9+s23+$0x0], $0xffff;
	s23 =	simm.s32 @p2 $0x3E00  }
0x9a: {  	v9 =	vld.idx.msk @p2 [tilespmem:v9+s23+$0x0], $0xffff;
	_ =	sdelay $0x3  }
0x9b: {  	vm3 =	vcmask @p2 $0x3F3C;
	vm2 =	vne.s32 @p2 v7, v10  }
0x9c: {  	vm4 =	vcmask @p2 $0x3F04;
	vm3 =	vmor @p2 vm2, vm3;
	vm2 =	vne.s32 @p2 v7, v11  }
.Ltmp2:
0x9d: {  	vm2 =	vmand @p2 vm2, vm4;
	v9 =	vsub.f32 @p2 $0.0e+00, v9;
	(pc) =	sbr.rel @p1 .LBB2_6-.Ltmp2, $2  }
0x9e: {  	_ =	sdelay $0x2  }
0x9f: {  	s23 =	simm.s32 @p2 $0x6600  }
0xa0: {  	_ =	sdelay $0x4  }
0xa1: {  	[tilespmem:v7+s23+$0x0] =	vst.idx.add.f32.msk @p2 vm3, v8  }
0xa2: {  	[tilespmem:v7+s23+$0x0] =	vst.idx.add.f32.msk @p2 vm2, v9  }
0xa3: {  	[hbm4b:s9+s3] =	stream.linear.scatter [tilespmem:s17], [sflag:$0x1], $0x2780, $0x38;
	[tilespmem:$0x8E80] =	vst v63  }
0xa4: {  	s19 =	sadd.s32 $0x1, s19;
	_ =	swait.ge [sflag:s13], $0x2780  }
0xa5: {  	p1 =	sne.s32 s19, s11;
	[sflag:s13] =	ssyncset.done $0x0  }
.Ltmp3:
0xa6: {  	[sflag:s13] =	ssyncadd.s32 $0xFFFFD880;
	(pc) =	sbr.rel @p1 .LBB2_1-.Ltmp3, $4  }
0xa7: {  	[hbm4b:s10+s3] =	stream.linear.scatter [tilespmem:s18], [sflag:$0x1], $0x2780, $0x38;
	[tilespmem:$0x8E80] =	vst v63  }
0xa8: {  	_ =	swait.ge [sflag:s13], $0x2780  }
0xa9: {  	[sflag:s13] =	ssyncset.done $0x0  }
0xaa: {  	[sflag:s13] =	ssyncadd.s32 $0xFFFFD880  }
0xab: {  	_ =	sfence.sel $0x180000  }
0xac: {  	[bflag:$0x0] =	sbarrier.arrive $0xFFFF  }
0xad: {  	p0 =	sne.s32 s0, $0x0;
	_ =	strace $0x90000047  }
0xae: {  	s0 =	sadd.s32 @!p0 $0x100000, s1;
	[bflag:$0x2] =	sbarrier.arrive $0xFFFF  }
0xaf: {  	[sflag:s0] =	ssyncadd.tile.s32 @!p0 $0x1;
	_ =	shalt  }
.Lfunc_end2:
_tile_overlayer_lowered:
.L_overlay_start_2:
0xb0: {  	(tag) =	ssettag $0x2  }
0xb1: {  	s0 =	rddreg [dreg:$0x0];
	s2 =	stileid.u32  }
0xb2: {  	s1 =	rddreg [dreg:$0x1];
	p0 =	sne.s32 s2, $0x0  }
0xb3: {  	s3 =	rddreg [dreg:$0x2];
	[bflag:$0x3] =	sbarrier.arrive $0xFFFF;
	s2 =	simm.s32 @!p0 $0x1C01  }
0xb4: {  	[timem:s3], [sflag:s2] =	dma.local @!p0 [hbm:s0], s1  }
0xb5: {  	s0 =	simm.s32 @!p0 $0x1  }
0xb6: {  	_ =	swait.ge @!p0 [sflag:s0], s1  }
0xb7: {  	s1 =	ssub.s32 @!p0 $0x0, s1;
	[sflag:s0] =	ssyncset.done @!p0 $0x0  }
0xb8: {  	[sflag:s0] =	ssyncadd.s32 @!p0 s1  }
0xb9: {  	[bflag:$0x3] =	sbarrier.arrive $0xFFFF  }
0xba: {  	_ =	shalt  }

</sc_bundles>
